<compile_context>
chip_gen: v7x
topology: tpu7x:2x2x1
jax: 0.10.2.dev20260603
libtpu: 0.0.44.dev20260713+nightly
codegen_flags: <defaults>
</compile_context>

<pallas_src>
import functools

import jax
import jax.numpy as jnp
from jax import lax
from jax.experimental import pallas as pl
from jax.experimental.pallas import tpu as pltpu
from jax.experimental.pallas import tpu_sc as plsc

NUM_EMB = 1_000_000
DIM = 32
BATCH = 16384
HIST = 50

NC, NS = 2, 16
NW = NC * NS
BW = BATCH // NW
CB_N = BW // 128
NRING = 4


def _sc_gather(tok_t, tab):
    mesh = plsc.VectorSubcoreMesh(
        core_axis_name="c", subcore_axis_name="s", num_cores=NC, num_subcores=NS
    )

    @functools.partial(
        pl.kernel,
        mesh=mesh,
        out_type=jax.ShapeDtypeStruct((HIST, DIM // 8, BATCH // 128, 8, 128),
                                      jnp.float32),
        scratch_types=[
            pltpu.VMEM((HIST, BW), jnp.int32),
            pltpu.VMEM((NRING, 128, 128), jnp.float32),
            pltpu.VMEM((NRING, DIM // 8, 8, 128), jnp.float32),
            pltpu.SemaphoreType.DMA((NRING,)),
            pltpu.SemaphoreType.DMA((NRING,)),
        ],
        compiler_params=pltpu.CompilerParams(
            use_tc_tiling_on_sc=False, needs_layout_passes=False
        ),
    )
    def k(tok_hbm, tab_hbm, out_hbm, idx_v, g_v, s_v, gsem, ssem):
        c = lax.axis_index("c")
        t = lax.axis_index("s")
        w = t * NC + c
        b0 = w * BW
        bc0 = w * CB_N

        pltpu.sync_copy(tok_hbm.at[:, pl.ds(b0, BW)], idx_v)

        rows16 = [lax.iota(jnp.int32, 16) + 16 * j2 for j2 in range(8)]

        def gather_copy(h, cb):
            r = (cb % NRING)
            return pltpu.make_async_copy(
                tab_hbm.at[idx_v.at[h, pl.ds(cb * 128, 128)]],
                g_v.at[r],
                gsem.at[r],
            )

        def store_copy(h, cb):
            r = cb % NRING
            return pltpu.make_async_copy(
                s_v.at[r],
                out_hbm.at[h, :, bc0 + cb, :, :],
                ssem.at[r],
            )

        def fire_gather(h, cb):
            pltpu.async_copy(
                tab_hbm.at[idx_v.at[h, pl.ds(cb * 128, 128)]],
                g_v.at[cb % NRING],
                gsem.at[cb % NRING],
            )

        def transpose_chunk(r):
            def dbody(d, _):
                cols = jnp.full_like(rows16[0], d)
                dd = d // 8
                ds_ = d % 8
                vs = [
                    plsc.load_gather(g_v.at[r], [rows16[j2], cols])
                    for j2 in range(8)
                ]
                for j2 in range(8):
                    s_v[r, dd, ds_, pl.ds(16 * j2, 16)] = vs[j2]
                return ()

            lax.fori_loop(0, DIM, dbody, (), unroll=False)

        for cb in range(NRING):
            fire_gather(0, cb)

        def body(h, _):
            for cb in range(CB_N):
                r = cb % NRING
                gather_copy(h, cb).wait()

                @pl.when(h >= 1)
                def _():
                    store_copy(h - 1, cb).wait()

                transpose_chunk(r)

                @pl.when(h + 1 < HIST)
                def _():
                    fire_gather(h + 1, cb)

                pltpu.async_copy(
                    s_v.at[r],
                    out_hbm.at[h, :, bc0 + cb, :, :],
                    ssem.at[r],
                )

            return ()

        lax.fori_loop(0, HIST, body, (), unroll=False)

        for cb in range(CB_N):
            store_copy(HIST - 1, cb).wait()

    return k(tok_t, tab)


def kernel(tokens, emb_table):
    tok_t = tokens.T.astype(jnp.int32)
    tab_p = jnp.pad(emb_table, ((0, 0), (0, 128 - DIM)))
    out5 = _sc_gather(tok_t, tab_p)
    out = jnp.transpose(out5, (2, 4, 0, 1, 3))
    return out.reshape(BATCH, HIST, DIM)

# --- scband reference (transcript-rebuilt; emitter-appended) ---
"""Pipeline reference for scband-label-mlp-embed-29996051595536 (READ-ONLY COPY).

The authoritative reference and input builder live on the scoring server;
editing this copy changes nothing except your own understanding.
"""

import jax, jax.numpy as jnp
import numpy as np

NUM_EMBEDDINGS = 1000000
EMBEDDING_DIM = 32
BATCH = 16384
HIST = 50

def setup_inputs(seed: int = 0) -> dict:
    key = jax.random.key(seed)
    k_tok, k_emb = jax.random.split(key)
    tokens = jax.random.randint(k_tok, (BATCH, HIST), 0, NUM_EMBEDDINGS, dtype=jnp.int64 if jax.config.jax_enable_x64 else jnp.int32)
    emb_table = jax.random.normal(k_emb, (NUM_EMBEDDINGS, EMBEDDING_DIM), dtype=jnp.float32)
    return {"tokens": tokens, "emb_table": emb_table}

def reference(tokens, emb_table):
    # Label_MLP_embed with num_layers=0 is just an nn.Embedding lookup
    return jnp.take(emb_table, tokens, axis=0)

if __name__ == "__main__":
    import jax
    _d = setup_inputs()
    print(jax.jit(kernel)(*tuple(_d.values())))

</pallas_src>

<mosaic_0001>
#map = affine_map<(d0, d1) -> (0, 0)>
#map1 = affine_map<(d0, d1) -> (0, 0, 0, 0, 0)>
module attributes {stable_mosaic.version = 14 : i64} {
  func.func @k(%arg0: i32, %arg1: i32, %arg2: memref<50x16384xi32, #tpu.memory_space<hbm>>, %arg3: memref<1000000x128xf32, #tpu.memory_space<hbm>>, %arg4: memref<50x4x128x8x128xf32, #tpu.memory_space<hbm>>, %arg5: memref<50x512xi32, #tpu.memory_space<vmem>>, %arg6: memref<4x128x128xf32, #tpu.memory_space<vmem>>, %arg7: memref<4x4x8x128xf32, #tpu.memory_space<vmem>>, %arg8: memref<4x!tpu.dma_semaphore, #tpu.memory_space<semaphore_mem>>, %arg9: memref<4x!tpu.dma_semaphore, #tpu.memory_space<semaphore_mem>>) attributes {dimension_semantics = [#tpu.dimension_semantics<core_parallel>, #tpu.dimension_semantics<subcore_parallel>], iteration_bounds = array<i64: 2, 16>, scalar_prefetch = 0 : i64, scratch_operands = 5 : i64, tpu.core_type = #tpu.core_type<sc_vector_subcore>, window_params = [{transform_indices = #map}, {transform_indices = #map}, {transform_indices = #map1}]} {
    %mul3A = arith.constant 2 : i32
    %mul3A_0 = arith.muli %arg1, %mul3A : i32
    %add3A = arith.addi %mul3A_0, %arg0 : i32
    %mul3A_1 = arith.constant 512 : i32
    %mul3A_2 = arith.muli %add3A, %mul3A_1 : i32
    %mul3A_3 = arith.constant 4 : i32
    %mul3A_4 = arith.muli %add3A, %mul3A_3 : i32
    "tpu.region"() ({
      %run_scoped3A = tpu.sem_alloc : memref<!tpu.dma_semaphore, #tpu.memory_space<semaphore_mem>>
      %dma_start3A_206 = arith.constant 0 : i32
      %dma_start3A_207 = tpu.memref_slice %arg2[%dma_start3A_206, %mul3A_2] : memref<50x16384xi32, #tpu.memory_space<hbm>> -> memref<50x512xi32, #tpu.memory_space<hbm>>
      %dma_start3A_208 = arith.constant 0 : i32
      %dma_start3A_209 = tpu.memref_slice %arg2[%dma_start3A_208, %mul3A_2] : memref<50x16384xi32, #tpu.memory_space<hbm>> -> memref<50x512xi32, #tpu.memory_space<hbm>>
      tpu.enqueue_dma source(%dma_start3A_209 : memref<50x512xi32, #tpu.memory_space<hbm>>) target(%arg5 : memref<50x512xi32, #tpu.memory_space<vmem>>) target_semaphore(%run_scoped3A : memref<!tpu.dma_semaphore, #tpu.memory_space<semaphore_mem>>)
      %dma_wait3A_210 = arith.constant 0 : i32
      %dma_wait3A_211 = tpu.memref_slice %arg2[%dma_wait3A_210, %mul3A_2] : memref<50x16384xi32, #tpu.memory_space<hbm>> -> memref<50x512xi32, #tpu.memory_space<hbm>>
      %dma_wait3A_212 = arith.constant 0 : i32
      %dma_wait3A_213 = tpu.memref_slice %arg2[%dma_wait3A_212, %mul3A_2] : memref<50x16384xi32, #tpu.memory_space<hbm>> -> memref<50x512xi32, #tpu.memory_space<hbm>>
      tpu.wait_dma2 semaphore(%run_scoped3A : memref<!tpu.dma_semaphore, #tpu.memory_space<semaphore_mem>>) src(%dma_wait3A_213 : memref<50x512xi32, #tpu.memory_space<hbm>>) dst(%arg5 : memref<50x512xi32, #tpu.memory_space<vmem>>)
      tpu.yield
    }) : () -> ()
    %iota3A = tpu.iota {dimensions = array<i32: 0>} : vector<16xi32>
    %add3A_5 = arith.constant 0 : i32
    %add3A_6 = vector.broadcast %add3A_5 : i32 to vector<16xi32>
    %add3A_7 = arith.addi %iota3A, %add3A_6 : vector<16xi32>
    %iota3A_8 = tpu.iota {dimensions = array<i32: 0>} : vector<16xi32>
    %add3A_9 = arith.constant 16 : i32
    %add3A_10 = vector.broadcast %add3A_9 : i32 to vector<16xi32>
    %add3A_11 = arith.addi %iota3A_8, %add3A_10 : vector<16xi32>
    %iota3A_12 = tpu.iota {dimensions = array<i32: 0>} : vector<16xi32>
    %add3A_13 = arith.constant 32 : i32
    %add3A_14 = vector.broadcast %add3A_13 : i32 to vector<16xi32>
    %add3A_15 = arith.addi %iota3A_12, %add3A_14 : vector<16xi32>
    %iota3A_16 = tpu.iota {dimensions = array<i32: 0>} : vector<16xi32>
    %add3A_17 = arith.constant 48 : i32
    %add3A_18 = vector.broadcast %add3A_17 : i32 to vector<16xi32>
    %add3A_19 = arith.addi %iota3A_16, %add3A_18 : vector<16xi32>
    %iota3A_20 = tpu.iota {dimensions = array<i32: 0>} : vector<16xi32>
    %add3A_21 = arith.constant 64 : i32
    %add3A_22 = vector.broadcast %add3A_21 : i32 to vector<16xi32>
    %add3A_23 = arith.addi %iota3A_20, %add3A_22 : vector<16xi32>
    %iota3A_24 = tpu.iota {dimensions = array<i32: 0>} : vector<16xi32>
    %add3A_25 = arith.constant 80 : i32
    %add3A_26 = vector.broadcast %add3A_25 : i32 to vector<16xi32>
    %add3A_27 = arith.addi %iota3A_24, %add3A_26 : vector<16xi32>
    %iota3A_28 = tpu.iota {dimensions = array<i32: 0>} : vector<16xi32>
    %add3A_29 = arith.constant 96 : i32
    %add3A_30 = vector.broadcast %add3A_29 : i32 to vector<16xi32>
    %add3A_31 = arith.addi %iota3A_28, %add3A_30 : vector<16xi32>
    %iota3A_32 = tpu.iota {dimensions = array<i32: 0>} : vector<16xi32>
    %add3A_33 = arith.constant 112 : i32
    %add3A_34 = vector.broadcast %add3A_33 : i32 to vector<16xi32>
    %add3A_35 = arith.addi %iota3A_32, %add3A_34 : vector<16xi32>
    %dma_start3A = arith.constant 0 : i32
    %dma_start3A_36 = arith.constant 0 : i32
    %dma_start3A_37 = arith.constant 0 : i32
    %dma_start3A_38 = arith.constant 0 : i32
    %dma_start3A_39 = arith.constant 0 : i32
    %dma_start3A_40 = tpu.memref_slice %arg6[%dma_start3A_36, %dma_start3A_38, %dma_start3A_39] : memref<4x128x128xf32, #tpu.memory_space<vmem>> -> memref<1x128x128xf32, #tpu.memory_space<vmem>>
    %dma_start3A_41 = tpu.memref_squeeze %dma_start3A_40 : memref<1x128x128xf32, #tpu.memory_space<vmem>> -> memref<128x128xf32, #tpu.memory_space<vmem>>
    %dma_start3A_42 = arith.constant 0 : i32
    %dma_start3A_43 = tpu.memref_slice %arg5[%dma_start3A, %dma_start3A_42] : memref<50x512xi32, #tpu.memory_space<vmem>> -> memref<1x128xi32, #tpu.memory_space<vmem>>
    %dma_start3A_44 = tpu.memref_squeeze %dma_start3A_43 : memref<1x128xi32, #tpu.memory_space<vmem>> -> memref<128xi32, #tpu.memory_space<vmem>>
    %dma_start3A_45 = arith.constant 0 : i32
    %dma_start3A_46 = arith.constant 0 : i32
    %dma_start3A_47 = tpu.memref_slice %arg3[%dma_start3A_45, %dma_start3A_46] : memref<1000000x128xf32, #tpu.memory_space<hbm>> -> memref<1000000x128xf32, #tpu.memory_space<hbm>>
    %dma_start3A_48 = tpu.memref_slice %arg8[%dma_start3A_37] : memref<4x!tpu.dma_semaphore, #tpu.memory_space<semaphore_mem>> -> memref<1x!tpu.dma_semaphore, #tpu.memory_space<semaphore_mem>>
    %dma_start3A_49 = tpu.memref_squeeze %dma_start3A_48 : memref<1x!tpu.dma_semaphore, #tpu.memory_space<semaphore_mem>> -> memref<!tpu.dma_semaphore, #tpu.memory_space<semaphore_mem>>
    tpu.enqueue_indirect_dma source(%dma_start3A_47 : memref<1000000x128xf32, #tpu.memory_space<hbm>>) target(%dma_start3A_41 : memref<128x128xf32, #tpu.memory_space<vmem>>) offsets(%dma_start3A_44 : memref<128xi32, #tpu.memory_space<vmem>>) semaphore(%dma_start3A_49 : memref<!tpu.dma_semaphore, #tpu.memory_space<semaphore_mem>>)
    %dma_start3A_50 = arith.constant 0 : i32
    %dma_start3A_51 = arith.constant 1 : i32
    %dma_start3A_52 = arith.constant 1 : i32
    %dma_start3A_53 = arith.constant 0 : i32
    %dma_start3A_54 = arith.constant 0 : i32
    %dma_start3A_55 = tpu.memref_slice %arg6[%dma_start3A_51, %dma_start3A_53, %dma_start3A_54] : memref<4x128x128xf32, #tpu.memory_space<vmem>> -> memref<1x128x128xf32, #tpu.memory_space<vmem>>
    %dma_start3A_56 = tpu.memref_squeeze %dma_start3A_55 : memref<1x128x128xf32, #tpu.memory_space<vmem>> -> memref<128x128xf32, #tpu.memory_space<vmem>>
    %dma_start3A_57 = arith.constant 128 : i32
    %dma_start3A_58 = tpu.memref_slice %arg5[%dma_start3A_50, %dma_start3A_57] : memref<50x512xi32, #tpu.memory_space<vmem>> -> memref<1x128xi32, #tpu.memory_space<vmem>>
    %dma_start3A_59 = tpu.memref_squeeze %dma_start3A_58 : memref<1x128xi32, #tpu.memory_space<vmem>> -> memref<128xi32, #tpu.memory_space<vmem>>
    %dma_start3A_60 = arith.constant 0 : i32
    %dma_start3A_61 = arith.constant 0 : i32
    %dma_start3A_62 = tpu.memref_slice %arg3[%dma_start3A_60, %dma_start3A_61] : memref<1000000x128xf32, #tpu.memory_space<hbm>> -> memref<1000000x128xf32, #tpu.memory_space<hbm>>
    %dma_start3A_63 = tpu.memref_slice %arg8[%dma_start3A_52] : memref<4x!tpu.dma_semaphore, #tpu.memory_space<semaphore_mem>> -> memref<1x!tpu.dma_semaphore, #tpu.memory_space<semaphore_mem>>
    %dma_start3A_64 = tpu.memref_squeeze %dma_start3A_63 : memref<1x!tpu.dma_semaphore, #tpu.memory_space<semaphore_mem>> -> memref<!tpu.dma_semaphore, #tpu.memory_space<semaphore_mem>>
    tpu.enqueue_indirect_dma source(%dma_start3A_62 : memref<1000000x128xf32, #tpu.memory_space<hbm>>) target(%dma_start3A_56 : memref<128x128xf32, #tpu.memory_space<vmem>>) offsets(%dma_start3A_59 : memref<128xi32, #tpu.memory_space<vmem>>) semaphore(%dma_start3A_64 : memref<!tpu.dma_semaphore, #tpu.memory_space<semaphore_mem>>)
    %dma_start3A_65 = arith.constant 0 : i32
    %dma_start3A_66 = arith.constant 2 : i32
    %dma_start3A_67 = arith.constant 2 : i32
    %dma_start3A_68 = arith.constant 0 : i32
    %dma_start3A_69 = arith.constant 0 : i32
    %dma_start3A_70 = tpu.memref_slice %arg6[%dma_start3A_66, %dma_start3A_68, %dma_start3A_69] : memref<4x128x128xf32, #tpu.memory_space<vmem>> -> memref<1x128x128xf32, #tpu.memory_space<vmem>>
    %dma_start3A_71 = tpu.memref_squeeze %dma_start3A_70 : memref<1x128x128xf32, #tpu.memory_space<vmem>> -> memref<128x128xf32, #tpu.memory_space<vmem>>
    %dma_start3A_72 = arith.constant 256 : i32
    %dma_start3A_73 = tpu.memref_slice %arg5[%dma_start3A_65, %dma_start3A_72] : memref<50x512xi32, #tpu.memory_space<vmem>> -> memref<1x128xi32, #tpu.memory_space<vmem>>
    %dma_start3A_74 = tpu.memref_squeeze %dma_start3A_73 : memref<1x128xi32, #tpu.memory_space<vmem>> -> memref<128xi32, #tpu.memory_space<vmem>>
    %dma_start3A_75 = arith.constant 0 : i32
    %dma_start3A_76 = arith.constant 0 : i32
    %dma_start3A_77 = tpu.memref_slice %arg3[%dma_start3A_75, %dma_start3A_76] : memref<1000000x128xf32, #tpu.memory_space<hbm>> -> memref<1000000x128xf32, #tpu.memory_space<hbm>>
    %dma_start3A_78 = tpu.memref_slice %arg8[%dma_start3A_67] : memref<4x!tpu.dma_semaphore, #tpu.memory_space<semaphore_mem>> -> memref<1x!tpu.dma_semaphore, #tpu.memory_space<semaphore_mem>>
    %dma_start3A_79 = tpu.memref_squeeze %dma_start3A_78 : memref<1x!tpu.dma_semaphore, #tpu.memory_space<semaphore_mem>> -> memref<!tpu.dma_semaphore, #tpu.memory_space<semaphore_mem>>
    tpu.enqueue_indirect_dma source(%dma_start3A_77 : memref<1000000x128xf32, #tpu.memory_space<hbm>>) target(%dma_start3A_71 : memref<128x128xf32, #tpu.memory_space<vmem>>) offsets(%dma_start3A_74 : memref<128xi32, #tpu.memory_space<vmem>>) semaphore(%dma_start3A_79 : memref<!tpu.dma_semaphore, #tpu.memory_space<semaphore_mem>>)
    %dma_start3A_80 = arith.constant 0 : i32
    %dma_start3A_81 = arith.constant 3 : i32
    %dma_start3A_82 = arith.constant 3 : i32
    %dma_start3A_83 = arith.constant 0 : i32
    %dma_start3A_84 = arith.constant 0 : i32
    %dma_start3A_85 = tpu.memref_slice %arg6[%dma_start3A_81, %dma_start3A_83, %dma_start3A_84] : memref<4x128x128xf32, #tpu.memory_space<vmem>> -> memref<1x128x128xf32, #tpu.memory_space<vmem>>
    %dma_start3A_86 = tpu.memref_squeeze %dma_start3A_85 : memref<1x128x128xf32, #tpu.memory_space<vmem>> -> memref<128x128xf32, #tpu.memory_space<vmem>>
    %dma_start3A_87 = arith.constant 384 : i32
    %dma_start3A_88 = tpu.memref_slice %arg5[%dma_start3A_80, %dma_start3A_87] : memref<50x512xi32, #tpu.memory_space<vmem>> -> memref<1x128xi32, #tpu.memory_space<vmem>>
    %dma_start3A_89 = tpu.memref_squeeze %dma_start3A_88 : memref<1x128xi32, #tpu.memory_space<vmem>> -> memref<128xi32, #tpu.memory_space<vmem>>
    %dma_start3A_90 = arith.constant 0 : i32
    %dma_start3A_91 = arith.constant 0 : i32
    %dma_start3A_92 = tpu.memref_slice %arg3[%dma_start3A_90, %dma_start3A_91] : memref<1000000x128xf32, #tpu.memory_space<hbm>> -> memref<1000000x128xf32, #tpu.memory_space<hbm>>
    %dma_start3A_93 = tpu.memref_slice %arg8[%dma_start3A_82] : memref<4x!tpu.dma_semaphore, #tpu.memory_space<semaphore_mem>> -> memref<1x!tpu.dma_semaphore, #tpu.memory_space<semaphore_mem>>
    %dma_start3A_94 = tpu.memref_squeeze %dma_start3A_93 : memref<1x!tpu.dma_semaphore, #tpu.memory_space<semaphore_mem>> -> memref<!tpu.dma_semaphore, #tpu.memory_space<semaphore_mem>>
    tpu.enqueue_indirect_dma source(%dma_start3A_92 : memref<1000000x128xf32, #tpu.memory_space<hbm>>) target(%dma_start3A_86 : memref<128x128xf32, #tpu.memory_space<vmem>>) offsets(%dma_start3A_89 : memref<128xi32, #tpu.memory_space<vmem>>) semaphore(%dma_start3A_94 : memref<!tpu.dma_semaphore, #tpu.memory_space<semaphore_mem>>)
    %scan3A = arith.constant 0 : i32
    %scan3A_95 = arith.constant 50 : i32
    %scan3A_96 = arith.addi %scan3A, %scan3A_95 : i32
    %scan3A_97 = arith.constant 1 : i32
    scf.for %scan3A_206 = %scan3A to %scan3A_96 step %scan3A_97  : i32 {
      %dma_wait3A_207 = arith.constant 0 : i32
      %dma_wait3A_208 = arith.constant 0 : i32
      %dma_wait3A_209 = arith.constant 0 : i32
      %dma_wait3A_210 = arith.constant 0 : i32
      %dma_wait3A_211 = tpu.memref_slice %arg6[%dma_wait3A_207, %dma_wait3A_209, %dma_wait3A_210] : memref<4x128x128xf32, #tpu.memory_space<vmem>> -> memref<1x128x128xf32, #tpu.memory_space<vmem>>
      %dma_wait3A_212 = tpu.memref_squeeze %dma_wait3A_211 : memref<1x128x128xf32, #tpu.memory_space<vmem>> -> memref<128x128xf32, #tpu.memory_space<vmem>>
      %dma_wait3A_213 = arith.constant 0 : i32
      %dma_wait3A_214 = tpu.memref_slice %arg5[%scan3A_206, %dma_wait3A_213] : memref<50x512xi32, #tpu.memory_space<vmem>> -> memref<1x128xi32, #tpu.memory_space<vmem>>
      %dma_wait3A_215 = tpu.memref_squeeze %dma_wait3A_214 : memref<1x128xi32, #tpu.memory_space<vmem>> -> memref<128xi32, #tpu.memory_space<vmem>>
      %dma_wait3A_216 = arith.constant 0 : i32
      %dma_wait3A_217 = arith.constant 0 : i32
      %dma_wait3A_218 = tpu.memref_slice %arg3[%dma_wait3A_216, %dma_wait3A_217] : memref<1000000x128xf32, #tpu.memory_space<hbm>> -> memref<1000000x128xf32, #tpu.memory_space<hbm>>
      %dma_wait3A_219 = tpu.memref_slice %arg8[%dma_wait3A_208] : memref<4x!tpu.dma_semaphore, #tpu.memory_space<semaphore_mem>> -> memref<1x!tpu.dma_semaphore, #tpu.memory_space<semaphore_mem>>
      %dma_wait3A_220 = tpu.memref_squeeze %dma_wait3A_219 : memref<1x!tpu.dma_semaphore, #tpu.memory_space<semaphore_mem>> -> memref<!tpu.dma_semaphore, #tpu.memory_space<semaphore_mem>>
      tpu.wait_indirect_dma semaphore(%dma_wait3A_220 : memref<!tpu.dma_semaphore, #tpu.memory_space<semaphore_mem>>) src(%dma_wait3A_218 : memref<1000000x128xf32, #tpu.memory_space<hbm>>) dst(%dma_wait3A_212 : memref<128x128xf32, #tpu.memory_space<vmem>>)
      %ge3A = arith.constant 1 : i32
      %ge3A_221 = arith.cmpi sge, %scan3A_206, %ge3A : i32
      %convert_element_type3A = arith.extui %ge3A_221 : i1 to i32
      %cond3A = arith.constant 0 : i32
      %cond3A_222 = arith.cmpi ne, %convert_element_type3A, %cond3A : i32
      scf.if %cond3A_222 {
        %sub3A = arith.constant 1 : i32
        %sub3A_431 = arith.subi %scan3A_206, %sub3A : i32
        %add3A_432 = arith.constant 0 : i32
        %add3A_433 = arith.addi %mul3A_4, %add3A_432 : i32
        %dma_wait3A_434 = arith.constant 0 : i32
        %dma_wait3A_435 = arith.constant 0 : i32
        %dma_wait3A_436 = arith.constant 0 : i32
        %dma_wait3A_437 = arith.constant 0 : i32
        %dma_wait3A_438 = arith.constant 0 : i32
        %dma_wait3A_439 = tpu.memref_slice %arg7[%dma_wait3A_434, %dma_wait3A_436, %dma_wait3A_437, %dma_wait3A_438] : memref<4x4x8x128xf32, #tpu.memory_space<vmem>> -> memref<1x4x8x128xf32, #tpu.memory_space<vmem>>
        %dma_wait3A_440 = tpu.memref_squeeze %dma_wait3A_439 : memref<1x4x8x128xf32, #tpu.memory_space<vmem>> -> memref<4x8x128xf32, #tpu.memory_space<vmem>>
        %dma_wait3A_441 = arith.constant 0 : i32
        %dma_wait3A_442 = arith.constant 0 : i32
        %dma_wait3A_443 = arith.constant 0 : i32
        %dma_wait3A_444 = tpu.memref_slice %arg4[%sub3A_431, %dma_wait3A_441, %add3A_433, %dma_wait3A_442, %dma_wait3A_443] : memref<50x4x128x8x128xf32, #tpu.memory_space<hbm>> -> memref<1x4x1x8x128xf32, #tpu.memory_space<hbm>>
        %dma_wait3A_445 = tpu.memref_squeeze %dma_wait3A_444 : memref<1x4x1x8x128xf32, #tpu.memory_space<hbm>> -> memref<4x8x128xf32, #tpu.memory_space<hbm>>
        %dma_wait3A_446 = tpu.memref_slice %arg9[%dma_wait3A_435] : memref<4x!tpu.dma_semaphore, #tpu.memory_space<semaphore_mem>> -> memref<1x!tpu.dma_semaphore, #tpu.memory_space<semaphore_mem>>
        %dma_wait3A_447 = tpu.memref_squeeze %dma_wait3A_446 : memref<1x!tpu.dma_semaphore, #tpu.memory_space<semaphore_mem>> -> memref<!tpu.dma_semaphore, #tpu.memory_space<semaphore_mem>>
        %dma_wait3A_448 = arith.constant 0 : i32
        %dma_wait3A_449 = arith.constant 0 : i32
        %dma_wait3A_450 = arith.constant 0 : i32
        %dma_wait3A_451 = tpu.memref_slice %arg4[%sub3A_431, %dma_wait3A_448, %add3A_433, %dma_wait3A_449, %dma_wait3A_450] : memref<50x4x128x8x128xf32, #tpu.memory_space<hbm>> -> memref<1x4x1x8x128xf32, #tpu.memory_space<hbm>>
        %dma_wait3A_452 = tpu.memref_squeeze %dma_wait3A_451 : memref<1x4x1x8x128xf32, #tpu.memory_space<hbm>> -> memref<4x8x128xf32, #tpu.memory_space<hbm>>
        %dma_wait3A_453 = arith.constant 0 : i32
        %dma_wait3A_454 = arith.constant 0 : i32
        %dma_wait3A_455 = arith.constant 0 : i32
        %dma_wait3A_456 = tpu.memref_slice %arg7[%dma_wait3A_434, %dma_wait3A_453, %dma_wait3A_454, %dma_wait3A_455] : memref<4x4x8x128xf32, #tpu.memory_space<vmem>> -> memref<1x4x8x128xf32, #tpu.memory_space<vmem>>
        %dma_wait3A_457 = tpu.memref_squeeze %dma_wait3A_456 : memref<1x4x8x128xf32, #tpu.memory_space<vmem>> -> memref<4x8x128xf32, #tpu.memory_space<vmem>>
        tpu.wait_dma2 semaphore(%dma_wait3A_447 : memref<!tpu.dma_semaphore, #tpu.memory_space<semaphore_mem>>) src(%dma_wait3A_457 : memref<4x8x128xf32, #tpu.memory_space<vmem>>) dst(%dma_wait3A_452 : memref<4x8x128xf32, #tpu.memory_space<hbm>>)
      } else {
      }
      %scan3A_223 = arith.constant 0 : i32
      %scan3A_224 = arith.constant 32 : i32
      %scan3A_225 = arith.addi %scan3A_223, %scan3A_224 : i32
      %scan3A_226 = arith.constant 1 : i32
      scf.for %scan3A_431 = %scan3A_223 to %scan3A_225 step %scan3A_226  : i32 {
        %broadcast_in_dim3A = vector.broadcast %scan3A_431 : i32 to vector<16xi32>
        %jit3A = arith.constant 8 : i32
        %div3A = arith.divsi %scan3A_431, %jit3A : i32
        %sign3A = arith.constant 0 : i32
        %sign3A_432 = arith.cmpi sgt, %scan3A_431, %sign3A : i32
        %sign3A_433 = arith.extui %sign3A_432 : i1 to i32
        %sign3A_434 = arith.constant 0 : i32
        %sign3A_435 = arith.cmpi slt, %scan3A_431, %sign3A_434 : i32
        %sign3A_436 = arith.extui %sign3A_435 : i1 to i32
        %sign3A_437 = arith.subi %sign3A_433, %sign3A_436 : i32
        %sign3A_438 = arith.constant 0 : i32
        %sign3A_439 = arith.cmpi sgt, %jit3A, %sign3A_438 : i32
        %sign3A_440 = arith.extui %sign3A_439 : i1 to i32
        %sign3A_441 = arith.constant 0 : i32
        %sign3A_442 = arith.cmpi slt, %jit3A, %sign3A_441 : i32
        %sign3A_443 = arith.extui %sign3A_442 : i1 to i32
        %sign3A_444 = arith.subi %sign3A_440, %sign3A_443 : i32
        %ne3A = arith.cmpi ne, %sign3A_437, %sign3A_444 : i32
        %rem3A = arith.remsi %scan3A_431, %jit3A : i32
        %ne3A_445 = arith.constant 0 : i32
        %ne3A_446 = arith.cmpi ne, %rem3A, %ne3A_445 : i32
        %and3A = arith.andi %ne3A, %ne3A_446 : i1
        %sub3A = arith.constant 1 : i32
        %sub3A_447 = arith.subi %div3A, %sub3A : i32
        %select_n3A = arith.select %and3A, %sub3A_447, %div3A : i32
        %jit3A_448 = arith.constant 8 : i32
        %eq3A = arith.constant 0 : i32
        %eq3A_449 = arith.cmpi eq, %jit3A_448, %eq3A : i32
        %jit3A_450 = arith.constant 1 : i32
        %select_n3A_451 = arith.select %eq3A_449, %jit3A_450, %jit3A_448 : i32
        %rem3A_452 = arith.remsi %scan3A_431, %select_n3A_451 : i32
        %ne3A_453 = arith.constant 0 : i32
        %ne3A_454 = arith.cmpi ne, %rem3A_452, %ne3A_453 : i32
        %lt3A_455 = arith.constant 0 : i32
        %lt3A_456 = arith.cmpi slt, %rem3A_452, %lt3A_455 : i32
        %lt3A_457 = arith.constant 0 : i32
        %lt3A_458 = arith.cmpi slt, %select_n3A_451, %lt3A_457 : i32
        %ne3A_459 = arith.xori %lt3A_456, %lt3A_458 : i1
        %and3A_460 = arith.andi %ne3A_459, %ne3A_454 : i1
        %add3A_461 = arith.addi %rem3A_452, %select_n3A_451 : i32
        %select_n3A_462 = arith.select %and3A_460, %add3A_461, %rem3A_452 : i32
        %gather3A = arith.constant 0 : i32
        %gather3A_463 = arith.constant 0 : i32
        %gather3A_464 = arith.constant 0 : i32
        %gather3A_465 = tpu.memref_slice %arg6[%gather3A, %gather3A_463, %gather3A_464] : memref<4x128x128xf32, #tpu.memory_space<vmem>> -> memref<1x128x128xf32, #tpu.memory_space<vmem>>
        %gather3A_466 = tpu.memref_squeeze %gather3A_465 : memref<1x128x128xf32, #tpu.memory_space<vmem>> -> memref<128x128xf32, #tpu.memory_space<vmem>>
        %gather3A_467 = tpu.vector_load_idx %gather3A_466[%add3A_7, %broadcast_in_dim3A] : memref<128x128xf32, #tpu.memory_space<vmem>>[vector<16xi32>, vector<16xi32>], vector<16xf32>,
        %gather3A_468 = arith.constant 0 : i32
        %gather3A_469 = arith.constant 0 : i32
        %gather3A_470 = arith.constant 0 : i32
        %gather3A_471 = tpu.memref_slice %arg6[%gather3A_468, %gather3A_469, %gather3A_470] : memref<4x128x128xf32, #tpu.memory_space<vmem>> -> memref<1x128x128xf32, #tpu.memory_space<vmem>>
        %gather3A_472 = tpu.memref_squeeze %gather3A_471 : memref<1x128x128xf32, #tpu.memory_space<vmem>> -> memref<128x128xf32, #tpu.memory_space<vmem>>
        %gather3A_473 = tpu.vector_load_idx %gather3A_472[%add3A_11, %broadcast_in_dim3A] : memref<128x128xf32, #tpu.memory_space<vmem>>[vector<16xi32>, vector<16xi32>], vector<16xf32>,
        %gather3A_474 = arith.constant 0 : i32
        %gather3A_475 = arith.constant 0 : i32
        %gather3A_476 = arith.constant 0 : i32
        %gather3A_477 = tpu.memref_slice %arg6[%gather3A_474, %gather3A_475, %gather3A_476] : memref<4x128x128xf32, #tpu.memory_space<vmem>> -> memref<1x128x128xf32, #tpu.memory_space<vmem>>
        %gather3A_478 = tpu.memref_squeeze %gather3A_477 : memref<1x128x128xf32, #tpu.memory_space<vmem>> -> memref<128x128xf32, #tpu.memory_space<vmem>>
        %gather3A_479 = tpu.vector_load_idx %gather3A_478[%add3A_15, %broadcast_in_dim3A] : memref<128x128xf32, #tpu.memory_space<vmem>>[vector<16xi32>, vector<16xi32>], vector<16xf32>,
        %gather3A_480 = arith.constant 0 : i32
        %gather3A_481 = arith.constant 0 : i32
        %gather3A_482 = arith.constant 0 : i32
        %gather3A_483 = tpu.memref_slice %arg6[%gather3A_480, %gather3A_481, %gather3A_482] : memref<4x128x128xf32, #tpu.memory_space<vmem>> -> memref<1x128x128xf32, #tpu.memory_space<vmem>>
        %gather3A_484 = tpu.memref_squeeze %gather3A_483 : memref<1x128x128xf32, #tpu.memory_space<vmem>> -> memref<128x128xf32, #tpu.memory_space<vmem>>
        %gather3A_485 = tpu.vector_load_idx %gather3A_484[%add3A_19, %broadcast_in_dim3A] : memref<128x128xf32, #tpu.memory_space<vmem>>[vector<16xi32>, vector<16xi32>], vector<16xf32>,
        %gather3A_486 = arith.constant 0 : i32
        %gather3A_487 = arith.constant 0 : i32
        %gather3A_488 = arith.constant 0 : i32
        %gather3A_489 = tpu.memref_slice %arg6[%gather3A_486, %gather3A_487, %gather3A_488] : memref<4x128x128xf32, #tpu.memory_space<vmem>> -> memref<1x128x128xf32, #tpu.memory_space<vmem>>
        %gather3A_490 = tpu.memref_squeeze %gather3A_489 : memref<1x128x128xf32, #tpu.memory_space<vmem>> -> memref<128x128xf32, #tpu.memory_space<vmem>>
        %gather3A_491 = tpu.vector_load_idx %gather3A_490[%add3A_23, %broadcast_in_dim3A] : memref<128x128xf32, #tpu.memory_space<vmem>>[vector<16xi32>, vector<16xi32>], vector<16xf32>,
        %gather3A_492 = arith.constant 0 : i32
        %gather3A_493 = arith.constant 0 : i32
        %gather3A_494 = arith.constant 0 : i32
        %gather3A_495 = tpu.memref_slice %arg6[%gather3A_492, %gather3A_493, %gather3A_494] : memref<4x128x128xf32, #tpu.memory_space<vmem>> -> memref<1x128x128xf32, #tpu.memory_space<vmem>>
        %gather3A_496 = tpu.memref_squeeze %gather3A_495 : memref<1x128x128xf32, #tpu.memory_space<vmem>> -> memref<128x128xf32, #tpu.memory_space<vmem>>
        %gather3A_497 = tpu.vector_load_idx %gather3A_496[%add3A_27, %broadcast_in_dim3A] : memref<128x128xf32, #tpu.memory_space<vmem>>[vector<16xi32>, vector<16xi32>], vector<16xf32>,
        %gather3A_498 = arith.constant 0 : i32
        %gather3A_499 = arith.constant 0 : i32
        %gather3A_500 = arith.constant 0 : i32
        %gather3A_501 = tpu.memref_slice %arg6[%gather3A_498, %gather3A_499, %gather3A_500] : memref<4x128x128xf32, #tpu.memory_space<vmem>> -> memref<1x128x128xf32, #tpu.memory_space<vmem>>
        %gather3A_502 = tpu.memref_squeeze %gather3A_501 : memref<1x128x128xf32, #tpu.memory_space<vmem>> -> memref<128x128xf32, #tpu.memory_space<vmem>>
        %gather3A_503 = tpu.vector_load_idx %gather3A_502[%add3A_31, %broadcast_in_dim3A] : memref<128x128xf32, #tpu.memory_space<vmem>>[vector<16xi32>, vector<16xi32>], vector<16xf32>,
        %gather3A_504 = arith.constant 0 : i32
        %gather3A_505 = arith.constant 0 : i32
        %gather3A_506 = arith.constant 0 : i32
        %gather3A_507 = tpu.memref_slice %arg6[%gather3A_504, %gather3A_505, %gather3A_506] : memref<4x128x128xf32, #tpu.memory_space<vmem>> -> memref<1x128x128xf32, #tpu.memory_space<vmem>>
        %gather3A_508 = tpu.memref_squeeze %gather3A_507 : memref<1x128x128xf32, #tpu.memory_space<vmem>> -> memref<128x128xf32, #tpu.memory_space<vmem>>
        %gather3A_509 = tpu.vector_load_idx %gather3A_508[%add3A_35, %broadcast_in_dim3A] : memref<128x128xf32, #tpu.memory_space<vmem>>[vector<16xi32>, vector<16xi32>], vector<16xf32>,
        %swap3A = arith.constant 0 : i32
        %swap3A_510 = arith.index_cast %swap3A : i32 to index
        %swap3A_511 = arith.index_cast %select_n3A : i32 to index
        %swap3A_512 = arith.index_cast %select_n3A_462 : i32 to index
        %swap3A_513 = arith.constant 0 : index
        %swap3A_514 = tpu.vector_load %arg7[%swap3A_510, %swap3A_511, %swap3A_512, %swap3A_513] {strides = array<i32>} : memref<4x4x8x128xf32, #tpu.memory_space<vmem>>, vector<16xf32>,
        tpu.vector_store %arg7[%swap3A_510, %swap3A_511, %swap3A_512, %swap3A_513], %gather3A_467 {strides = array<i32>} : memref<4x4x8x128xf32, #tpu.memory_space<vmem>>, vector<16xf32>,
        %swap3A_515 = arith.constant 0 : i32
        %swap3A_516 = arith.index_cast %swap3A_515 : i32 to index
        %swap3A_517 = arith.index_cast %select_n3A : i32 to index
        %swap3A_518 = arith.index_cast %select_n3A_462 : i32 to index
        %swap3A_519 = arith.constant 16 : index
        %swap3A_520 = tpu.vector_load %arg7[%swap3A_516, %swap3A_517, %swap3A_518, %swap3A_519] {strides = array<i32>} : memref<4x4x8x128xf32, #tpu.memory_space<vmem>>, vector<16xf32>,
        tpu.vector_store %arg7[%swap3A_516, %swap3A_517, %swap3A_518, %swap3A_519], %gather3A_473 {strides = array<i32>} : memref<4x4x8x128xf32, #tpu.memory_space<vmem>>, vector<16xf32>,
        %swap3A_521 = arith.constant 0 : i32
        %swap3A_522 = arith.index_cast %swap3A_521 : i32 to index
        %swap3A_523 = arith.index_cast %select_n3A : i32 to index
        %swap3A_524 = arith.index_cast %select_n3A_462 : i32 to index
        %swap3A_525 = arith.constant 32 : index
        %swap3A_526 = tpu.vector_load %arg7[%swap3A_522, %swap3A_523, %swap3A_524, %swap3A_525] {strides = array<i32>} : memref<4x4x8x128xf32, #tpu.memory_space<vmem>>, vector<16xf32>,
        tpu.vector_store %arg7[%swap3A_522, %swap3A_523, %swap3A_524, %swap3A_525], %gather3A_479 {strides = array<i32>} : memref<4x4x8x128xf32, #tpu.memory_space<vmem>>, vector<16xf32>,
        %swap3A_527 = arith.constant 0 : i32
        %swap3A_528 = arith.index_cast %swap3A_527 : i32 to index
        %swap3A_529 = arith.index_cast %select_n3A : i32 to index
        %swap3A_530 = arith.index_cast %select_n3A_462 : i32 to index
        %swap3A_531 = arith.constant 48 : index
        %swap3A_532 = tpu.vector_load %arg7[%swap3A_528, %swap3A_529, %swap3A_530, %swap3A_531] {strides = array<i32>} : memref<4x4x8x128xf32, #tpu.memory_space<vmem>>, vector<16xf32>,
        tpu.vector_store %arg7[%swap3A_528, %swap3A_529, %swap3A_530, %swap3A_531], %gather3A_485 {strides = array<i32>} : memref<4x4x8x128xf32, #tpu.memory_space<vmem>>, vector<16xf32>,
        %swap3A_533 = arith.constant 0 : i32
        %swap3A_534 = arith.index_cast %swap3A_533 : i32 to index
        %swap3A_535 = arith.index_cast %select_n3A : i32 to index
        %swap3A_536 = arith.index_cast %select_n3A_462 : i32 to index
        %swap3A_537 = arith.constant 64 : index
        %swap3A_538 = tpu.vector_load %arg7[%swap3A_534, %swap3A_535, %swap3A_536, %swap3A_537] {strides = array<i32>} : memref<4x4x8x128xf32, #tpu.memory_space<vmem>>, vector<16xf32>,
        tpu.vector_store %arg7[%swap3A_534, %swap3A_535, %swap3A_536, %swap3A_537], %gather3A_491 {strides = array<i32>} : memref<4x4x8x128xf32, #tpu.memory_space<vmem>>, vector<16xf32>,
        %swap3A_539 = arith.constant 0 : i32
        %swap3A_540 = arith.index_cast %swap3A_539 : i32 to index
        %swap3A_541 = arith.index_cast %select_n3A : i32 to index
        %swap3A_542 = arith.index_cast %select_n3A_462 : i32 to index
        %swap3A_543 = arith.constant 80 : index
        %swap3A_544 = tpu.vector_load %arg7[%swap3A_540, %swap3A_541, %swap3A_542, %swap3A_543] {strides = array<i32>} : memref<4x4x8x128xf32, #tpu.memory_space<vmem>>, vector<16xf32>,
        tpu.vector_store %arg7[%swap3A_540, %swap3A_541, %swap3A_542, %swap3A_543], %gather3A_497 {strides = array<i32>} : memref<4x4x8x128xf32, #tpu.memory_space<vmem>>, vector<16xf32>,
        %swap3A_545 = arith.constant 0 : i32
        %swap3A_546 = arith.index_cast %swap3A_545 : i32 to index
        %swap3A_547 = arith.index_cast %select_n3A : i32 to index
        %swap3A_548 = arith.index_cast %select_n3A_462 : i32 to index
        %swap3A_549 = arith.constant 96 : index
        %swap3A_550 = tpu.vector_load %arg7[%swap3A_546, %swap3A_547, %swap3A_548, %swap3A_549] {strides = array<i32>} : memref<4x4x8x128xf32, #tpu.memory_space<vmem>>, vector<16xf32>,
        tpu.vector_store %arg7[%swap3A_546, %swap3A_547, %swap3A_548, %swap3A_549], %gather3A_503 {strides = array<i32>} : memref<4x4x8x128xf32, #tpu.memory_space<vmem>>, vector<16xf32>,
        %swap3A_551 = arith.constant 0 : i32
        %swap3A_552 = arith.index_cast %swap3A_551 : i32 to index
        %swap3A_553 = arith.index_cast %select_n3A : i32 to index
        %swap3A_554 = arith.index_cast %select_n3A_462 : i32 to index
        %swap3A_555 = arith.constant 112 : index
        %swap3A_556 = tpu.vector_load %arg7[%swap3A_552, %swap3A_553, %swap3A_554, %swap3A_555] {strides = array<i32>} : memref<4x4x8x128xf32, #tpu.memory_space<vmem>>, vector<16xf32>,
        tpu.vector_store %arg7[%swap3A_552, %swap3A_553, %swap3A_554, %swap3A_555], %gather3A_509 {strides = array<i32>} : memref<4x4x8x128xf32, #tpu.memory_space<vmem>>, vector<16xf32>,
      }
      %scan3A_227 = arith.constant 32 : i32
      %add3A_228 = arith.constant 1 : i32
      %add3A_229 = arith.addi %scan3A_206, %add3A_228 : i32
      %lt3A = arith.constant 50 : i32
      %lt3A_230 = arith.cmpi slt, %add3A_229, %lt3A : i32
      %convert_element_type3A_231 = arith.extui %lt3A_230 : i1 to i32
      %cond3A_232 = arith.constant 0 : i32
      %cond3A_233 = arith.cmpi ne, %convert_element_type3A_231, %cond3A_232 : i32
      scf.if %cond3A_233 {
        %add3A_431 = arith.constant 1 : i32
        %add3A_432 = arith.addi %scan3A_206, %add3A_431 : i32
        %dma_start3A_433 = arith.constant 0 : i32
        %dma_start3A_434 = arith.constant 0 : i32
        %dma_start3A_435 = arith.constant 0 : i32
        %dma_start3A_436 = arith.constant 0 : i32
        %dma_start3A_437 = tpu.memref_slice %arg6[%dma_start3A_433, %dma_start3A_435, %dma_start3A_436] : memref<4x128x128xf32, #tpu.memory_space<vmem>> -> memref<1x128x128xf32, #tpu.memory_space<vmem>>
        %dma_start3A_438 = tpu.memref_squeeze %dma_start3A_437 : memref<1x128x128xf32, #tpu.memory_space<vmem>> -> memref<128x128xf32, #tpu.memory_space<vmem>>
        %dma_start3A_439 = arith.constant 0 : i32
        %dma_start3A_440 = tpu.memref_slice %arg5[%add3A_432, %dma_start3A_439] : memref<50x512xi32, #tpu.memory_space<vmem>> -> memref<1x128xi32, #tpu.memory_space<vmem>>
        %dma_start3A_441 = tpu.memref_squeeze %dma_start3A_440 : memref<1x128xi32, #tpu.memory_space<vmem>> -> memref<128xi32, #tpu.memory_space<vmem>>
        %dma_start3A_442 = arith.constant 0 : i32
        %dma_start3A_443 = arith.constant 0 : i32
        %dma_start3A_444 = tpu.memref_slice %arg3[%dma_start3A_442, %dma_start3A_443] : memref<1000000x128xf32, #tpu.memory_space<hbm>> -> memref<1000000x128xf32, #tpu.memory_space<hbm>>
        %dma_start3A_445 = tpu.memref_slice %arg8[%dma_start3A_434] : memref<4x!tpu.dma_semaphore, #tpu.memory_space<semaphore_mem>> -> memref<1x!tpu.dma_semaphore, #tpu.memory_space<semaphore_mem>>
        %dma_start3A_446 = tpu.memref_squeeze %dma_start3A_445 : memref<1x!tpu.dma_semaphore, #tpu.memory_space<semaphore_mem>> -> memref<!tpu.dma_semaphore, #tpu.memory_space<semaphore_mem>>
        tpu.enqueue_indirect_dma source(%dma_start3A_444 : memref<1000000x128xf32, #tpu.memory_space<hbm>>) target(%dma_start3A_438 : memref<128x128xf32, #tpu.memory_space<vmem>>) offsets(%dma_start3A_441 : memref<128xi32, #tpu.memory_space<vmem>>) semaphore(%dma_start3A_446 : memref<!tpu.dma_semaphore, #tpu.memory_space<semaphore_mem>>)
      } else {
      }
      %add3A_234 = arith.constant 0 : i32
      %add3A_235 = arith.addi %mul3A_4, %add3A_234 : i32
      %dma_start3A_236 = arith.constant 0 : i32
      %dma_start3A_237 = arith.constant 0 : i32
      %dma_start3A_238 = arith.constant 0 : i32
      %dma_start3A_239 = arith.constant 0 : i32
      %dma_start3A_240 = arith.constant 0 : i32
      %dma_start3A_241 = tpu.memref_slice %arg7[%dma_start3A_236, %dma_start3A_238, %dma_start3A_239, %dma_start3A_240] : memref<4x4x8x128xf32, #tpu.memory_space<vmem>> -> memref<1x4x8x128xf32, #tpu.memory_space<vmem>>
      %dma_start3A_242 = tpu.memref_squeeze %dma_start3A_241 : memref<1x4x8x128xf32, #tpu.memory_space<vmem>> -> memref<4x8x128xf32, #tpu.memory_space<vmem>>
      %dma_start3A_243 = arith.constant 0 : i32
      %dma_start3A_244 = arith.constant 0 : i32
      %dma_start3A_245 = arith.constant 0 : i32
      %dma_start3A_246 = tpu.memref_slice %arg4[%scan3A_206, %dma_start3A_243, %add3A_235, %dma_start3A_244, %dma_start3A_245] : memref<50x4x128x8x128xf32, #tpu.memory_space<hbm>> -> memref<1x4x1x8x128xf32, #tpu.memory_space<hbm>>
      %dma_start3A_247 = tpu.memref_squeeze %dma_start3A_246 : memref<1x4x1x8x128xf32, #tpu.memory_space<hbm>> -> memref<4x8x128xf32, #tpu.memory_space<hbm>>
      %dma_start3A_248 = tpu.memref_slice %arg9[%dma_start3A_237] : memref<4x!tpu.dma_semaphore, #tpu.memory_space<semaphore_mem>> -> memref<1x!tpu.dma_semaphore, #tpu.memory_space<semaphore_mem>>
      %dma_start3A_249 = tpu.memref_squeeze %dma_start3A_248 : memref<1x!tpu.dma_semaphore, #tpu.memory_space<semaphore_mem>> -> memref<!tpu.dma_semaphore, #tpu.memory_space<semaphore_mem>>
      %dma_start3A_250 = arith.constant 0 : i32
      %dma_start3A_251 = arith.constant 0 : i32
      %dma_start3A_252 = arith.constant 0 : i32
      %dma_start3A_253 = tpu.memref_slice %arg4[%scan3A_206, %dma_start3A_250, %add3A_235, %dma_start3A_251, %dma_start3A_252] : memref<50x4x128x8x128xf32, #tpu.memory_space<hbm>> -> memref<1x4x1x8x128xf32, #tpu.memory_space<hbm>>
      %dma_start3A_254 = tpu.memref_squeeze %dma_start3A_253 : memref<1x4x1x8x128xf32, #tpu.memory_space<hbm>> -> memref<4x8x128xf32, #tpu.memory_space<hbm>>
      %dma_start3A_255 = arith.constant 0 : i32
      %dma_start3A_256 = arith.constant 0 : i32
      %dma_start3A_257 = arith.constant 0 : i32
      %dma_start3A_258 = tpu.memref_slice %arg7[%dma_start3A_236, %dma_start3A_255, %dma_start3A_256, %dma_start3A_257] : memref<4x4x8x128xf32, #tpu.memory_space<vmem>> -> memref<1x4x8x128xf32, #tpu.memory_space<vmem>>
      %dma_start3A_259 = tpu.memref_squeeze %dma_start3A_258 : memref<1x4x8x128xf32, #tpu.memory_space<vmem>> -> memref<4x8x128xf32, #tpu.memory_space<vmem>>
      tpu.enqueue_dma source(%dma_start3A_259 : memref<4x8x128xf32, #tpu.memory_space<vmem>>) target(%dma_start3A_254 : memref<4x8x128xf32, #tpu.memory_space<hbm>>) target_semaphore(%dma_start3A_249 : memref<!tpu.dma_semaphore, #tpu.memory_space<semaphore_mem>>)
      %dma_wait3A_260 = arith.constant 1 : i32
      %dma_wait3A_261 = arith.constant 1 : i32
      %dma_wait3A_262 = arith.constant 0 : i32
      %dma_wait3A_263 = arith.constant 0 : i32
      %dma_wait3A_264 = tpu.memref_slice %arg6[%dma_wait3A_260, %dma_wait3A_262, %dma_wait3A_263] : memref<4x128x128xf32, #tpu.memory_space<vmem>> -> memref<1x128x128xf32, #tpu.memory_space<vmem>>
      %dma_wait3A_265 = tpu.memref_squeeze %dma_wait3A_264 : memref<1x128x128xf32, #tpu.memory_space<vmem>> -> memref<128x128xf32, #tpu.memory_space<vmem>>
      %dma_wait3A_266 = arith.constant 128 : i32
      %dma_wait3A_267 = tpu.memref_slice %arg5[%scan3A_206, %dma_wait3A_266] : memref<50x512xi32, #tpu.memory_space<vmem>> -> memref<1x128xi32, #tpu.memory_space<vmem>>
      %dma_wait3A_268 = tpu.memref_squeeze %dma_wait3A_267 : memref<1x128xi32, #tpu.memory_space<vmem>> -> memref<128xi32, #tpu.memory_space<vmem>>
      %dma_wait3A_269 = arith.constant 0 : i32
      %dma_wait3A_270 = arith.constant 0 : i32
      %dma_wait3A_271 = tpu.memref_slice %arg3[%dma_wait3A_269, %dma_wait3A_270] : memref<1000000x128xf32, #tpu.memory_space<hbm>> -> memref<1000000x128xf32, #tpu.memory_space<hbm>>
      %dma_wait3A_272 = tpu.memref_slice %arg8[%dma_wait3A_261] : memref<4x!tpu.dma_semaphore, #tpu.memory_space<semaphore_mem>> -> memref<1x!tpu.dma_semaphore, #tpu.memory_space<semaphore_mem>>
      %dma_wait3A_273 = tpu.memref_squeeze %dma_wait3A_272 : memref<1x!tpu.dma_semaphore, #tpu.memory_space<semaphore_mem>> -> memref<!tpu.dma_semaphore, #tpu.memory_space<semaphore_mem>>
      tpu.wait_indirect_dma semaphore(%dma_wait3A_273 : memref<!tpu.dma_semaphore, #tpu.memory_space<semaphore_mem>>) src(%dma_wait3A_271 : memref<1000000x128xf32, #tpu.memory_space<hbm>>) dst(%dma_wait3A_265 : memref<128x128xf32, #tpu.memory_space<vmem>>)
      %ge3A_274 = arith.constant 1 : i32
      %ge3A_275 = arith.cmpi sge, %scan3A_206, %ge3A_274 : i32
      %convert_element_type3A_276 = arith.extui %ge3A_275 : i1 to i32
      %cond3A_277 = arith.constant 0 : i32
      %cond3A_278 = arith.cmpi ne, %convert_element_type3A_276, %cond3A_277 : i32
      scf.if %cond3A_278 {
        %sub3A = arith.constant 1 : i32
        %sub3A_431 = arith.subi %scan3A_206, %sub3A : i32
        %add3A_432 = arith.constant 1 : i32
        %add3A_433 = arith.addi %mul3A_4, %add3A_432 : i32
        %dma_wait3A_434 = arith.constant 1 : i32
        %dma_wait3A_435 = arith.constant 1 : i32
        %dma_wait3A_436 = arith.constant 0 : i32
        %dma_wait3A_437 = arith.constant 0 : i32
        %dma_wait3A_438 = arith.constant 0 : i32
        %dma_wait3A_439 = tpu.memref_slice %arg7[%dma_wait3A_434, %dma_wait3A_436, %dma_wait3A_437, %dma_wait3A_438] : memref<4x4x8x128xf32, #tpu.memory_space<vmem>> -> memref<1x4x8x128xf32, #tpu.memory_space<vmem>>
        %dma_wait3A_440 = tpu.memref_squeeze %dma_wait3A_439 : memref<1x4x8x128xf32, #tpu.memory_space<vmem>> -> memref<4x8x128xf32, #tpu.memory_space<vmem>>
        %dma_wait3A_441 = arith.constant 0 : i32
        %dma_wait3A_442 = arith.constant 0 : i32
        %dma_wait3A_443 = arith.constant 0 : i32
        %dma_wait3A_444 = tpu.memref_slice %arg4[%sub3A_431, %dma_wait3A_441, %add3A_433, %dma_wait3A_442, %dma_wait3A_443] : memref<50x4x128x8x128xf32, #tpu.memory_space<hbm>> -> memref<1x4x1x8x128xf32, #tpu.memory_space<hbm>>
        %dma_wait3A_445 = tpu.memref_squeeze %dma_wait3A_444 : memref<1x4x1x8x128xf32, #tpu.memory_space<hbm>> -> memref<4x8x128xf32, #tpu.memory_space<hbm>>
        %dma_wait3A_446 = tpu.memref_slice %arg9[%dma_wait3A_435] : memref<4x!tpu.dma_semaphore, #tpu.memory_space<semaphore_mem>> -> memref<1x!tpu.dma_semaphore, #tpu.memory_space<semaphore_mem>>
        %dma_wait3A_447 = tpu.memref_squeeze %dma_wait3A_446 : memref<1x!tpu.dma_semaphore, #tpu.memory_space<semaphore_mem>> -> memref<!tpu.dma_semaphore, #tpu.memory_space<semaphore_mem>>
        %dma_wait3A_448 = arith.constant 0 : i32
        %dma_wait3A_449 = arith.constant 0 : i32
        %dma_wait3A_450 = arith.constant 0 : i32
        %dma_wait3A_451 = tpu.memref_slice %arg4[%sub3A_431, %dma_wait3A_448, %add3A_433, %dma_wait3A_449, %dma_wait3A_450] : memref<50x4x128x8x128xf32, #tpu.memory_space<hbm>> -> memref<1x4x1x8x128xf32, #tpu.memory_space<hbm>>
        %dma_wait3A_452 = tpu.memref_squeeze %dma_wait3A_451 : memref<1x4x1x8x128xf32, #tpu.memory_space<hbm>> -> memref<4x8x128xf32, #tpu.memory_space<hbm>>
        %dma_wait3A_453 = arith.constant 0 : i32
        %dma_wait3A_454 = arith.constant 0 : i32
        %dma_wait3A_455 = arith.constant 0 : i32
        %dma_wait3A_456 = tpu.memref_slice %arg7[%dma_wait3A_434, %dma_wait3A_453, %dma_wait3A_454, %dma_wait3A_455] : memref<4x4x8x128xf32, #tpu.memory_space<vmem>> -> memref<1x4x8x128xf32, #tpu.memory_space<vmem>>
        %dma_wait3A_457 = tpu.memref_squeeze %dma_wait3A_456 : memref<1x4x8x128xf32, #tpu.memory_space<vmem>> -> memref<4x8x128xf32, #tpu.memory_space<vmem>>
        tpu.wait_dma2 semaphore(%dma_wait3A_447 : memref<!tpu.dma_semaphore, #tpu.memory_space<semaphore_mem>>) src(%dma_wait3A_457 : memref<4x8x128xf32, #tpu.memory_space<vmem>>) dst(%dma_wait3A_452 : memref<4x8x128xf32, #tpu.memory_space<hbm>>)
      } else {
      }
      %scan3A_279 = arith.constant 0 : i32
      %scan3A_280 = arith.constant 32 : i32
      %scan3A_281 = arith.addi %scan3A_279, %scan3A_280 : i32
      %scan3A_282 = arith.constant 1 : i32
      scf.for %scan3A_431 = %scan3A_279 to %scan3A_281 step %scan3A_282  : i32 {
        %broadcast_in_dim3A = vector.broadcast %scan3A_431 : i32 to vector<16xi32>
        %jit3A = arith.constant 8 : i32
        %div3A = arith.divsi %scan3A_431, %jit3A : i32
        %sign3A = arith.constant 0 : i32
        %sign3A_432 = arith.cmpi sgt, %scan3A_431, %sign3A : i32
        %sign3A_433 = arith.extui %sign3A_432 : i1 to i32
        %sign3A_434 = arith.constant 0 : i32
        %sign3A_435 = arith.cmpi slt, %scan3A_431, %sign3A_434 : i32
        %sign3A_436 = arith.extui %sign3A_435 : i1 to i32
        %sign3A_437 = arith.subi %sign3A_433, %sign3A_436 : i32
        %sign3A_438 = arith.constant 0 : i32
        %sign3A_439 = arith.cmpi sgt, %jit3A, %sign3A_438 : i32
        %sign3A_440 = arith.extui %sign3A_439 : i1 to i32
        %sign3A_441 = arith.constant 0 : i32
        %sign3A_442 = arith.cmpi slt, %jit3A, %sign3A_441 : i32
        %sign3A_443 = arith.extui %sign3A_442 : i1 to i32
        %sign3A_444 = arith.subi %sign3A_440, %sign3A_443 : i32
        %ne3A = arith.cmpi ne, %sign3A_437, %sign3A_444 : i32
        %rem3A = arith.remsi %scan3A_431, %jit3A : i32
        %ne3A_445 = arith.constant 0 : i32
        %ne3A_446 = arith.cmpi ne, %rem3A, %ne3A_445 : i32
        %and3A = arith.andi %ne3A, %ne3A_446 : i1
        %sub3A = arith.constant 1 : i32
        %sub3A_447 = arith.subi %div3A, %sub3A : i32
        %select_n3A = arith.select %and3A, %sub3A_447, %div3A : i32
        %jit3A_448 = arith.constant 8 : i32
        %eq3A = arith.constant 0 : i32
        %eq3A_449 = arith.cmpi eq, %jit3A_448, %eq3A : i32
        %jit3A_450 = arith.constant 1 : i32
        %select_n3A_451 = arith.select %eq3A_449, %jit3A_450, %jit3A_448 : i32
        %rem3A_452 = arith.remsi %scan3A_431, %select_n3A_451 : i32
        %ne3A_453 = arith.constant 0 : i32
        %ne3A_454 = arith.cmpi ne, %rem3A_452, %ne3A_453 : i32
        %lt3A_455 = arith.constant 0 : i32
        %lt3A_456 = arith.cmpi slt, %rem3A_452, %lt3A_455 : i32
        %lt3A_457 = arith.constant 0 : i32
        %lt3A_458 = arith.cmpi slt, %select_n3A_451, %lt3A_457 : i32
        %ne3A_459 = arith.xori %lt3A_456, %lt3A_458 : i1
        %and3A_460 = arith.andi %ne3A_459, %ne3A_454 : i1
        %add3A_461 = arith.addi %rem3A_452, %select_n3A_451 : i32
        %select_n3A_462 = arith.select %and3A_460, %add3A_461, %rem3A_452 : i32
        %gather3A = arith.constant 1 : i32
        %gather3A_463 = arith.constant 0 : i32
        %gather3A_464 = arith.constant 0 : i32
        %gather3A_465 = tpu.memref_slice %arg6[%gather3A, %gather3A_463, %gather3A_464] : memref<4x128x128xf32, #tpu.memory_space<vmem>> -> memref<1x128x128xf32, #tpu.memory_space<vmem>>
        %gather3A_466 = tpu.memref_squeeze %gather3A_465 : memref<1x128x128xf32, #tpu.memory_space<vmem>> -> memref<128x128xf32, #tpu.memory_space<vmem>>
        %gather3A_467 = tpu.vector_load_idx %gather3A_466[%add3A_7, %broadcast_in_dim3A] : memref<128x128xf32, #tpu.memory_space<vmem>>[vector<16xi32>, vector<16xi32>], vector<16xf32>,
        %gather3A_468 = arith.constant 1 : i32
        %gather3A_469 = arith.constant 0 : i32
        %gather3A_470 = arith.constant 0 : i32
        %gather3A_471 = tpu.memref_slice %arg6[%gather3A_468, %gather3A_469, %gather3A_470] : memref<4x128x128xf32, #tpu.memory_space<vmem>> -> memref<1x128x128xf32, #tpu.memory_space<vmem>>
        %gather3A_472 = tpu.memref_squeeze %gather3A_471 : memref<1x128x128xf32, #tpu.memory_space<vmem>> -> memref<128x128xf32, #tpu.memory_space<vmem>>
        %gather3A_473 = tpu.vector_load_idx %gather3A_472[%add3A_11, %broadcast_in_dim3A] : memref<128x128xf32, #tpu.memory_space<vmem>>[vector<16xi32>, vector<16xi32>], vector<16xf32>,
        %gather3A_474 = arith.constant 1 : i32
        %gather3A_475 = arith.constant 0 : i32
        %gather3A_476 = arith.constant 0 : i32
        %gather3A_477 = tpu.memref_slice %arg6[%gather3A_474, %gather3A_475, %gather3A_476] : memref<4x128x128xf32, #tpu.memory_space<vmem>> -> memref<1x128x128xf32, #tpu.memory_space<vmem>>
        %gather3A_478 = tpu.memref_squeeze %gather3A_477 : memref<1x128x128xf32, #tpu.memory_space<vmem>> -> memref<128x128xf32, #tpu.memory_space<vmem>>
        %gather3A_479 = tpu.vector_load_idx %gather3A_478[%add3A_15, %broadcast_in_dim3A] : memref<128x128xf32, #tpu.memory_space<vmem>>[vector<16xi32>, vector<16xi32>], vector<16xf32>,
        %gather3A_480 = arith.constant 1 : i32
        %gather3A_481 = arith.constant 0 : i32
        %gather3A_482 = arith.constant 0 : i32
        %gather3A_483 = tpu.memref_slice %arg6[%gather3A_480, %gather3A_481, %gather3A_482] : memref<4x128x128xf32, #tpu.memory_space<vmem>> -> memref<1x128x128xf32, #tpu.memory_space<vmem>>
        %gather3A_484 = tpu.memref_squeeze %gather3A_483 : memref<1x128x128xf32, #tpu.memory_space<vmem>> -> memref<128x128xf32, #tpu.memory_space<vmem>>
        %gather3A_485 = tpu.vector_load_idx %gather3A_484[%add3A_19, %broadcast_in_dim3A] : memref<128x128xf32, #tpu.memory_space<vmem>>[vector<16xi32>, vector<16xi32>], vector<16xf32>,
        %gather3A_486 = arith.constant 1 : i32
        %gather3A_487 = arith.constant 0 : i32
        %gather3A_488 = arith.constant 0 : i32
        %gather3A_489 = tpu.memref_slice %arg6[%gather3A_486, %gather3A_487, %gather3A_488] : memref<4x128x128xf32, #tpu.memory_space<vmem>> -> memref<1x128x128xf32, #tpu.memory_space<vmem>>
        %gather3A_490 = tpu.memref_squeeze %gather3A_489 : memref<1x128x128xf32, #tpu.memory_space<vmem>> -> memref<128x128xf32, #tpu.memory_space<vmem>>
        %gather3A_491 = tpu.vector_load_idx %gather3A_490[%add3A_23, %broadcast_in_dim3A] : memref<128x128xf32, #tpu.memory_space<vmem>>[vector<16xi32>, vector<16xi32>], vector<16xf32>,
        %gather3A_492 = arith.constant 1 : i32
        %gather3A_493 = arith.constant 0 : i32
        %gather3A_494 = arith.constant 0 : i32
        %gather3A_495 = tpu.memref_slice %arg6[%gather3A_492, %gather3A_493, %gather3A_494] : memref<4x128x128xf32, #tpu.memory_space<vmem>> -> memref<1x128x128xf32, #tpu.memory_space<vmem>>
        %gather3A_496 = tpu.memref_squeeze %gather3A_495 : memref<1x128x128xf32, #tpu.memory_space<vmem>> -> memref<128x128xf32, #tpu.memory_space<vmem>>
        %gather3A_497 = tpu.vector_load_idx %gather3A_496[%add3A_27, %broadcast_in_dim3A] : memref<128x128xf32, #tpu.memory_space<vmem>>[vector<16xi32>, vector<16xi32>], vector<16xf32>,
        %gather3A_498 = arith.constant 1 : i32
        %gather3A_499 = arith.constant 0 : i32
        %gather3A_500 = arith.constant 0 : i32
        %gather3A_501 = tpu.memref_slice %arg6[%gather3A_498, %gather3A_499, %gather3A_500] : memref<4x128x128xf32, #tpu.memory_space<vmem>> -> memref<1x128x128xf32, #tpu.memory_space<vmem>>
        %gather3A_502 = tpu.memref_squeeze %gather3A_501 : memref<1x128x128xf32, #tpu.memory_space<vmem>> -> memref<128x128xf32, #tpu.memory_space<vmem>>
        %gather3A_503 = tpu.vector_load_idx %gather3A_502[%add3A_31, %broadcast_in_dim3A] : memref<128x128xf32, #tpu.memory_space<vmem>>[vector<16xi32>, vector<16xi32>], vector<16xf32>,
        %gather3A_504 = arith.constant 1 : i32
        %gather3A_505 = arith.constant 0 : i32
        %gather3A_506 = arith.constant 0 : i32
        %gather3A_507 = tpu.memref_slice %arg6[%gather3A_504, %gather3A_505, %gather3A_506] : memref<4x128x128xf32, #tpu.memory_space<vmem>> -> memref<1x128x128xf32, #tpu.memory_space<vmem>>
        %gather3A_508 = tpu.memref_squeeze %gather3A_507 : memref<1x128x128xf32, #tpu.memory_space<vmem>> -> memref<128x128xf32, #tpu.memory_space<vmem>>
        %gather3A_509 = tpu.vector_load_idx %gather3A_508[%add3A_35, %broadcast_in_dim3A] : memref<128x128xf32, #tpu.memory_space<vmem>>[vector<16xi32>, vector<16xi32>], vector<16xf32>,
        %swap3A = arith.constant 1 : i32
        %swap3A_510 = arith.index_cast %swap3A : i32 to index
        %swap3A_511 = arith.index_cast %select_n3A : i32 to index
        %swap3A_512 = arith.index_cast %select_n3A_462 : i32 to index
        %swap3A_513 = arith.constant 0 : index
        %swap3A_514 = tpu.vector_load %arg7[%swap3A_510, %swap3A_511, %swap3A_512, %swap3A_513] {strides = array<i32>} : memref<4x4x8x128xf32, #tpu.memory_space<vmem>>, vector<16xf32>,
        tpu.vector_store %arg7[%swap3A_510, %swap3A_511, %swap3A_512, %swap3A_513], %gather3A_467 {strides = array<i32>} : memref<4x4x8x128xf32, #tpu.memory_space<vmem>>, vector<16xf32>,
        %swap3A_515 = arith.constant 1 : i32
        %swap3A_516 = arith.index_cast %swap3A_515 : i32 to index
        %swap3A_517 = arith.index_cast %select_n3A : i32 to index
        %swap3A_518 = arith.index_cast %select_n3A_462 : i32 to index
        %swap3A_519 = arith.constant 16 : index
        %swap3A_520 = tpu.vector_load %arg7[%swap3A_516, %swap3A_517, %swap3A_518, %swap3A_519] {strides = array<i32>} : memref<4x4x8x128xf32, #tpu.memory_space<vmem>>, vector<16xf32>,
        tpu.vector_store %arg7[%swap3A_516, %swap3A_517, %swap3A_518, %swap3A_519], %gather3A_473 {strides = array<i32>} : memref<4x4x8x128xf32, #tpu.memory_space<vmem>>, vector<16xf32>,
        %swap3A_521 = arith.constant 1 : i32
        %swap3A_522 = arith.index_cast %swap3A_521 : i32 to index
        %swap3A_523 = arith.index_cast %select_n3A : i32 to index
        %swap3A_524 = arith.index_cast %select_n3A_462 : i32 to index
        %swap3A_525 = arith.constant 32 : index
        %swap3A_526 = tpu.vector_load %arg7[%swap3A_522, %swap3A_523, %swap3A_524, %swap3A_525] {strides = array<i32>} : memref<4x4x8x128xf32, #tpu.memory_space<vmem>>, vector<16xf32>,
        tpu.vector_store %arg7[%swap3A_522, %swap3A_523, %swap3A_524, %swap3A_525], %gather3A_479 {strides = array<i32>} : memref<4x4x8x128xf32, #tpu.memory_space<vmem>>, vector<16xf32>,
        %swap3A_527 = arith.constant 1 : i32
        %swap3A_528 = arith.index_cast %swap3A_527 : i32 to index
        %swap3A_529 = arith.index_cast %select_n3A : i32 to index
        %swap3A_530 = arith.index_cast %select_n3A_462 : i32 to index
        %swap3A_531 = arith.constant 48 : index
        %swap3A_532 = tpu.vector_load %arg7[%swap3A_528, %swap3A_529, %swap3A_530, %swap3A_531] {strides = array<i32>} : memref<4x4x8x128xf32, #tpu.memory_space<vmem>>, vector<16xf32>,
        tpu.vector_store %arg7[%swap3A_528, %swap3A_529, %swap3A_530, %swap3A_531], %gather3A_485 {strides = array<i32>} : memref<4x4x8x128xf32, #tpu.memory_space<vmem>>, vector<16xf32>,
        %swap3A_533 = arith.constant 1 : i32
        %swap3A_534 = arith.index_cast %swap3A_533 : i32 to index
        %swap3A_535 = arith.index_cast %select_n3A : i32 to index
        %swap3A_536 = arith.index_cast %select_n3A_462 : i32 to index
        %swap3A_537 = arith.constant 64 : index
        %swap3A_538 = tpu.vector_load %arg7[%swap3A_534, %swap3A_535, %swap3A_536, %swap3A_537] {strides = array<i32>} : memref<4x4x8x128xf32, #tpu.memory_space<vmem>>, vector<16xf32>,
        tpu.vector_store %arg7[%swap3A_534, %swap3A_535, %swap3A_536, %swap3A_537], %gather3A_491 {strides = array<i32>} : memref<4x4x8x128xf32, #tpu.memory_space<vmem>>, vector<16xf32>,
        %swap3A_539 = arith.constant 1 : i32
        %swap3A_540 = arith.index_cast %swap3A_539 : i32 to index
        %swap3A_541 = arith.index_cast %select_n3A : i32 to index
        %swap3A_542 = arith.index_cast %select_n3A_462 : i32 to index
        %swap3A_543 = arith.constant 80 : index
        %swap3A_544 = tpu.vector_load %arg7[%swap3A_540, %swap3A_541, %swap3A_542, %swap3A_543] {strides = array<i32>} : memref<4x4x8x128xf32, #tpu.memory_space<vmem>>, vector<16xf32>,
        tpu.vector_store %arg7[%swap3A_540, %swap3A_541, %swap3A_542, %swap3A_543], %gather3A_497 {strides = array<i32>} : memref<4x4x8x128xf32, #tpu.memory_space<vmem>>, vector<16xf32>,
        %swap3A_545 = arith.constant 1 : i32
        %swap3A_546 = arith.index_cast %swap3A_545 : i32 to index
        %swap3A_547 = arith.index_cast %select_n3A : i32 to index
        %swap3A_548 = arith.index_cast %select_n3A_462 : i32 to index
        %swap3A_549 = arith.constant 96 : index
        %swap3A_550 = tpu.vector_load %arg7[%swap3A_546, %swap3A_547, %swap3A_548, %swap3A_549] {strides = array<i32>} : memref<4x4x8x128xf32, #tpu.memory_space<vmem>>, vector<16xf32>,
        tpu.vector_store %arg7[%swap3A_546, %swap3A_547, %swap3A_548, %swap3A_549], %gather3A_503 {strides = array<i32>} : memref<4x4x8x128xf32, #tpu.memory_space<vmem>>, vector<16xf32>,
        %swap3A_551 = arith.constant 1 : i32
        %swap3A_552 = arith.index_cast %swap3A_551 : i32 to index
        %swap3A_553 = arith.index_cast %select_n3A : i32 to index
        %swap3A_554 = arith.index_cast %select_n3A_462 : i32 to index
        %swap3A_555 = arith.constant 112 : index
        %swap3A_556 = tpu.vector_load %arg7[%swap3A_552, %swap3A_553, %swap3A_554, %swap3A_555] {strides = array<i32>} : memref<4x4x8x128xf32, #tpu.memory_space<vmem>>, vector<16xf32>,
        tpu.vector_store %arg7[%swap3A_552, %swap3A_553, %swap3A_554, %swap3A_555], %gather3A_509 {strides = array<i32>} : memref<4x4x8x128xf32, #tpu.memory_space<vmem>>, vector<16xf32>,
      }
      %scan3A_283 = arith.constant 32 : i32
      %add3A_284 = arith.constant 1 : i32
      %add3A_285 = arith.addi %scan3A_206, %add3A_284 : i32
      %lt3A_286 = arith.constant 50 : i32
      %lt3A_287 = arith.cmpi slt, %add3A_285, %lt3A_286 : i32
      %convert_element_type3A_288 = arith.extui %lt3A_287 : i1 to i32
      %cond3A_289 = arith.constant 0 : i32
      %cond3A_290 = arith.cmpi ne, %convert_element_type3A_288, %cond3A_289 : i32
      scf.if %cond3A_290 {
        %add3A_431 = arith.constant 1 : i32
        %add3A_432 = arith.addi %scan3A_206, %add3A_431 : i32
        %dma_start3A_433 = arith.constant 1 : i32
        %dma_start3A_434 = arith.constant 1 : i32
        %dma_start3A_435 = arith.constant 0 : i32
        %dma_start3A_436 = arith.constant 0 : i32
        %dma_start3A_437 = tpu.memref_slice %arg6[%dma_start3A_433, %dma_start3A_435, %dma_start3A_436] : memref<4x128x128xf32, #tpu.memory_space<vmem>> -> memref<1x128x128xf32, #tpu.memory_space<vmem>>
        %dma_start3A_438 = tpu.memref_squeeze %dma_start3A_437 : memref<1x128x128xf32, #tpu.memory_space<vmem>> -> memref<128x128xf32, #tpu.memory_space<vmem>>
        %dma_start3A_439 = arith.constant 128 : i32
        %dma_start3A_440 = tpu.memref_slice %arg5[%add3A_432, %dma_start3A_439] : memref<50x512xi32, #tpu.memory_space<vmem>> -> memref<1x128xi32, #tpu.memory_space<vmem>>
        %dma_start3A_441 = tpu.memref_squeeze %dma_start3A_440 : memref<1x128xi32, #tpu.memory_space<vmem>> -> memref<128xi32, #tpu.memory_space<vmem>>
        %dma_start3A_442 = arith.constant 0 : i32
        %dma_start3A_443 = arith.constant 0 : i32
        %dma_start3A_444 = tpu.memref_slice %arg3[%dma_start3A_442, %dma_start3A_443] : memref<1000000x128xf32, #tpu.memory_space<hbm>> -> memref<1000000x128xf32, #tpu.memory_space<hbm>>
        %dma_start3A_445 = tpu.memref_slice %arg8[%dma_start3A_434] : memref<4x!tpu.dma_semaphore, #tpu.memory_space<semaphore_mem>> -> memref<1x!tpu.dma_semaphore, #tpu.memory_space<semaphore_mem>>
        %dma_start3A_446 = tpu.memref_squeeze %dma_start3A_445 : memref<1x!tpu.dma_semaphore, #tpu.memory_space<semaphore_mem>> -> memref<!tpu.dma_semaphore, #tpu.memory_space<semaphore_mem>>
        tpu.enqueue_indirect_dma source(%dma_start3A_444 : memref<1000000x128xf32, #tpu.memory_space<hbm>>) target(%dma_start3A_438 : memref<128x128xf32, #tpu.memory_space<vmem>>) offsets(%dma_start3A_441 : memref<128xi32, #tpu.memory_space<vmem>>) semaphore(%dma_start3A_446 : memref<!tpu.dma_semaphore, #tpu.memory_space<semaphore_mem>>)
      } else {
      }
      %add3A_291 = arith.constant 1 : i32
      %add3A_292 = arith.addi %mul3A_4, %add3A_291 : i32
      %dma_start3A_293 = arith.constant 1 : i32
      %dma_start3A_294 = arith.constant 1 : i32
      %dma_start3A_295 = arith.constant 0 : i32
      %dma_start3A_296 = arith.constant 0 : i32
      %dma_start3A_297 = arith.constant 0 : i32
      %dma_start3A_298 = tpu.memref_slice %arg7[%dma_start3A_293, %dma_start3A_295, %dma_start3A_296, %dma_start3A_297] : memref<4x4x8x128xf32, #tpu.memory_space<vmem>> -> memref<1x4x8x128xf32, #tpu.memory_space<vmem>>
      %dma_start3A_299 = tpu.memref_squeeze %dma_start3A_298 : memref<1x4x8x128xf32, #tpu.memory_space<vmem>> -> memref<4x8x128xf32, #tpu.memory_space<vmem>>
      %dma_start3A_300 = arith.constant 0 : i32
      %dma_start3A_301 = arith.constant 0 : i32
      %dma_start3A_302 = arith.constant 0 : i32
      %dma_start3A_303 = tpu.memref_slice %arg4[%scan3A_206, %dma_start3A_300, %add3A_292, %dma_start3A_301, %dma_start3A_302] : memref<50x4x128x8x128xf32, #tpu.memory_space<hbm>> -> memref<1x4x1x8x128xf32, #tpu.memory_space<hbm>>
      %dma_start3A_304 = tpu.memref_squeeze %dma_start3A_303 : memref<1x4x1x8x128xf32, #tpu.memory_space<hbm>> -> memref<4x8x128xf32, #tpu.memory_space<hbm>>
      %dma_start3A_305 = tpu.memref_slice %arg9[%dma_start3A_294] : memref<4x!tpu.dma_semaphore, #tpu.memory_space<semaphore_mem>> -> memref<1x!tpu.dma_semaphore, #tpu.memory_space<semaphore_mem>>
      %dma_start3A_306 = tpu.memref_squeeze %dma_start3A_305 : memref<1x!tpu.dma_semaphore, #tpu.memory_space<semaphore_mem>> -> memref<!tpu.dma_semaphore, #tpu.memory_space<semaphore_mem>>
      %dma_start3A_307 = arith.constant 0 : i32
      %dma_start3A_308 = arith.constant 0 : i32
      %dma_start3A_309 = arith.constant 0 : i32
      %dma_start3A_310 = tpu.memref_slice %arg4[%scan3A_206, %dma_start3A_307, %add3A_292, %dma_start3A_308, %dma_start3A_309] : memref<50x4x128x8x128xf32, #tpu.memory_space<hbm>> -> memref<1x4x1x8x128xf32, #tpu.memory_space<hbm>>
      %dma_start3A_311 = tpu.memref_squeeze %dma_start3A_310 : memref<1x4x1x8x128xf32, #tpu.memory_space<hbm>> -> memref<4x8x128xf32, #tpu.memory_space<hbm>>
      %dma_start3A_312 = arith.constant 0 : i32
      %dma_start3A_313 = arith.constant 0 : i32
      %dma_start3A_314 = arith.constant 0 : i32
      %dma_start3A_315 = tpu.memref_slice %arg7[%dma_start3A_293, %dma_start3A_312, %dma_start3A_313, %dma_start3A_314] : memref<4x4x8x128xf32, #tpu.memory_space<vmem>> -> memref<1x4x8x128xf32, #tpu.memory_space<vmem>>
      %dma_start3A_316 = tpu.memref_squeeze %dma_start3A_315 : memref<1x4x8x128xf32, #tpu.memory_space<vmem>> -> memref<4x8x128xf32, #tpu.memory_space<vmem>>
      tpu.enqueue_dma source(%dma_start3A_316 : memref<4x8x128xf32, #tpu.memory_space<vmem>>) target(%dma_start3A_311 : memref<4x8x128xf32, #tpu.memory_space<hbm>>) target_semaphore(%dma_start3A_306 : memref<!tpu.dma_semaphore, #tpu.memory_space<semaphore_mem>>)
      %dma_wait3A_317 = arith.constant 2 : i32
      %dma_wait3A_318 = arith.constant 2 : i32
      %dma_wait3A_319 = arith.constant 0 : i32
      %dma_wait3A_320 = arith.constant 0 : i32
      %dma_wait3A_321 = tpu.memref_slice %arg6[%dma_wait3A_317, %dma_wait3A_319, %dma_wait3A_320] : memref<4x128x128xf32, #tpu.memory_space<vmem>> -> memref<1x128x128xf32, #tpu.memory_space<vmem>>
      %dma_wait3A_322 = tpu.memref_squeeze %dma_wait3A_321 : memref<1x128x128xf32, #tpu.memory_space<vmem>> -> memref<128x128xf32, #tpu.memory_space<vmem>>
      %dma_wait3A_323 = arith.constant 256 : i32
      %dma_wait3A_324 = tpu.memref_slice %arg5[%scan3A_206, %dma_wait3A_323] : memref<50x512xi32, #tpu.memory_space<vmem>> -> memref<1x128xi32, #tpu.memory_space<vmem>>
      %dma_wait3A_325 = tpu.memref_squeeze %dma_wait3A_324 : memref<1x128xi32, #tpu.memory_space<vmem>> -> memref<128xi32, #tpu.memory_space<vmem>>
      %dma_wait3A_326 = arith.constant 0 : i32
      %dma_wait3A_327 = arith.constant 0 : i32
      %dma_wait3A_328 = tpu.memref_slice %arg3[%dma_wait3A_326, %dma_wait3A_327] : memref<1000000x128xf32, #tpu.memory_space<hbm>> -> memref<1000000x128xf32, #tpu.memory_space<hbm>>
      %dma_wait3A_329 = tpu.memref_slice %arg8[%dma_wait3A_318] : memref<4x!tpu.dma_semaphore, #tpu.memory_space<semaphore_mem>> -> memref<1x!tpu.dma_semaphore, #tpu.memory_space<semaphore_mem>>
      %dma_wait3A_330 = tpu.memref_squeeze %dma_wait3A_329 : memref<1x!tpu.dma_semaphore, #tpu.memory_space<semaphore_mem>> -> memref<!tpu.dma_semaphore, #tpu.memory_space<semaphore_mem>>
      tpu.wait_indirect_dma semaphore(%dma_wait3A_330 : memref<!tpu.dma_semaphore, #tpu.memory_space<semaphore_mem>>) src(%dma_wait3A_328 : memref<1000000x128xf32, #tpu.memory_space<hbm>>) dst(%dma_wait3A_322 : memref<128x128xf32, #tpu.memory_space<vmem>>)
      %ge3A_331 = arith.constant 1 : i32
      %ge3A_332 = arith.cmpi sge, %scan3A_206, %ge3A_331 : i32
      %convert_element_type3A_333 = arith.extui %ge3A_332 : i1 to i32
      %cond3A_334 = arith.constant 0 : i32
      %cond3A_335 = arith.cmpi ne, %convert_element_type3A_333, %cond3A_334 : i32
      scf.if %cond3A_335 {
        %sub3A = arith.constant 1 : i32
        %sub3A_431 = arith.subi %scan3A_206, %sub3A : i32
        %add3A_432 = arith.constant 2 : i32
        %add3A_433 = arith.addi %mul3A_4, %add3A_432 : i32
        %dma_wait3A_434 = arith.constant 2 : i32
        %dma_wait3A_435 = arith.constant 2 : i32
        %dma_wait3A_436 = arith.constant 0 : i32
        %dma_wait3A_437 = arith.constant 0 : i32
        %dma_wait3A_438 = arith.constant 0 : i32
        %dma_wait3A_439 = tpu.memref_slice %arg7[%dma_wait3A_434, %dma_wait3A_436, %dma_wait3A_437, %dma_wait3A_438] : memref<4x4x8x128xf32, #tpu.memory_space<vmem>> -> memref<1x4x8x128xf32, #tpu.memory_space<vmem>>
        %dma_wait3A_440 = tpu.memref_squeeze %dma_wait3A_439 : memref<1x4x8x128xf32, #tpu.memory_space<vmem>> -> memref<4x8x128xf32, #tpu.memory_space<vmem>>
        %dma_wait3A_441 = arith.constant 0 : i32
        %dma_wait3A_442 = arith.constant 0 : i32
        %dma_wait3A_443 = arith.constant 0 : i32
        %dma_wait3A_444 = tpu.memref_slice %arg4[%sub3A_431, %dma_wait3A_441, %add3A_433, %dma_wait3A_442, %dma_wait3A_443] : memref<50x4x128x8x128xf32, #tpu.memory_space<hbm>> -> memref<1x4x1x8x128xf32, #tpu.memory_space<hbm>>
        %dma_wait3A_445 = tpu.memref_squeeze %dma_wait3A_444 : memref<1x4x1x8x128xf32, #tpu.memory_space<hbm>> -> memref<4x8x128xf32, #tpu.memory_space<hbm>>
        %dma_wait3A_446 = tpu.memref_slice %arg9[%dma_wait3A_435] : memref<4x!tpu.dma_semaphore, #tpu.memory_space<semaphore_mem>> -> memref<1x!tpu.dma_semaphore, #tpu.memory_space<semaphore_mem>>
        %dma_wait3A_447 = tpu.memref_squeeze %dma_wait3A_446 : memref<1x!tpu.dma_semaphore, #tpu.memory_space<semaphore_mem>> -> memref<!tpu.dma_semaphore, #tpu.memory_space<semaphore_mem>>
        %dma_wait3A_448 = arith.constant 0 : i32
        %dma_wait3A_449 = arith.constant 0 : i32
        %dma_wait3A_450 = arith.constant 0 : i32
        %dma_wait3A_451 = tpu.memref_slice %arg4[%sub3A_431, %dma_wait3A_448, %add3A_433, %dma_wait3A_449, %dma_wait3A_450] : memref<50x4x128x8x128xf32, #tpu.memory_space<hbm>> -> memref<1x4x1x8x128xf32, #tpu.memory_space<hbm>>
        %dma_wait3A_452 = tpu.memref_squeeze %dma_wait3A_451 : memref<1x4x1x8x128xf32, #tpu.memory_space<hbm>> -> memref<4x8x128xf32, #tpu.memory_space<hbm>>
        %dma_wait3A_453 = arith.constant 0 : i32
        %dma_wait3A_454 = arith.constant 0 : i32
        %dma_wait3A_455 = arith.constant 0 : i32
        %dma_wait3A_456 = tpu.memref_slice %arg7[%dma_wait3A_434, %dma_wait3A_453, %dma_wait3A_454, %dma_wait3A_455] : memref<4x4x8x128xf32, #tpu.memory_space<vmem>> -> memref<1x4x8x128xf32, #tpu.memory_space<vmem>>
        %dma_wait3A_457 = tpu.memref_squeeze %dma_wait3A_456 : memref<1x4x8x128xf32, #tpu.memory_space<vmem>> -> memref<4x8x128xf32, #tpu.memory_space<vmem>>
        tpu.wait_dma2 semaphore(%dma_wait3A_447 : memref<!tpu.dma_semaphore, #tpu.memory_space<semaphore_mem>>) src(%dma_wait3A_457 : memref<4x8x128xf32, #tpu.memory_space<vmem>>) dst(%dma_wait3A_452 : memref<4x8x128xf32, #tpu.memory_space<hbm>>)
      } else {
      }
      %scan3A_336 = arith.constant 0 : i32
      %scan3A_337 = arith.constant 32 : i32
      %scan3A_338 = arith.addi %scan3A_336, %scan3A_337 : i32
      %scan3A_339 = arith.constant 1 : i32
      scf.for %scan3A_431 = %scan3A_336 to %scan3A_338 step %scan3A_339  : i32 {
        %broadcast_in_dim3A = vector.broadcast %scan3A_431 : i32 to vector<16xi32>
        %jit3A = arith.constant 8 : i32
        %div3A = arith.divsi %scan3A_431, %jit3A : i32
        %sign3A = arith.constant 0 : i32
        %sign3A_432 = arith.cmpi sgt, %scan3A_431, %sign3A : i32
        %sign3A_433 = arith.extui %sign3A_432 : i1 to i32
        %sign3A_434 = arith.constant 0 : i32
        %sign3A_435 = arith.cmpi slt, %scan3A_431, %sign3A_434 : i32
        %sign3A_436 = arith.extui %sign3A_435 : i1 to i32
        %sign3A_437 = arith.subi %sign3A_433, %sign3A_436 : i32
        %sign3A_438 = arith.constant 0 : i32
        %sign3A_439 = arith.cmpi sgt, %jit3A, %sign3A_438 : i32
        %sign3A_440 = arith.extui %sign3A_439 : i1 to i32
        %sign3A_441 = arith.constant 0 : i32
        %sign3A_442 = arith.cmpi slt, %jit3A, %sign3A_441 : i32
        %sign3A_443 = arith.extui %sign3A_442 : i1 to i32
        %sign3A_444 = arith.subi %sign3A_440, %sign3A_443 : i32
        %ne3A = arith.cmpi ne, %sign3A_437, %sign3A_444 : i32
        %rem3A = arith.remsi %scan3A_431, %jit3A : i32
        %ne3A_445 = arith.constant 0 : i32
        %ne3A_446 = arith.cmpi ne, %rem3A, %ne3A_445 : i32
        %and3A = arith.andi %ne3A, %ne3A_446 : i1
        %sub3A = arith.constant 1 : i32
        %sub3A_447 = arith.subi %div3A, %sub3A : i32
        %select_n3A = arith.select %and3A, %sub3A_447, %div3A : i32
        %jit3A_448 = arith.constant 8 : i32
        %eq3A = arith.constant 0 : i32
        %eq3A_449 = arith.cmpi eq, %jit3A_448, %eq3A : i32
        %jit3A_450 = arith.constant 1 : i32
        %select_n3A_451 = arith.select %eq3A_449, %jit3A_450, %jit3A_448 : i32
        %rem3A_452 = arith.remsi %scan3A_431, %select_n3A_451 : i32
        %ne3A_453 = arith.constant 0 : i32
        %ne3A_454 = arith.cmpi ne, %rem3A_452, %ne3A_453 : i32
        %lt3A_455 = arith.constant 0 : i32
        %lt3A_456 = arith.cmpi slt, %rem3A_452, %lt3A_455 : i32
        %lt3A_457 = arith.constant 0 : i32
        %lt3A_458 = arith.cmpi slt, %select_n3A_451, %lt3A_457 : i32
        %ne3A_459 = arith.xori %lt3A_456, %lt3A_458 : i1
        %and3A_460 = arith.andi %ne3A_459, %ne3A_454 : i1
        %add3A_461 = arith.addi %rem3A_452, %select_n3A_451 : i32
        %select_n3A_462 = arith.select %and3A_460, %add3A_461, %rem3A_452 : i32
        %gather3A = arith.constant 2 : i32
        %gather3A_463 = arith.constant 0 : i32
        %gather3A_464 = arith.constant 0 : i32
        %gather3A_465 = tpu.memref_slice %arg6[%gather3A, %gather3A_463, %gather3A_464] : memref<4x128x128xf32, #tpu.memory_space<vmem>> -> memref<1x128x128xf32, #tpu.memory_space<vmem>>
        %gather3A_466 = tpu.memref_squeeze %gather3A_465 : memref<1x128x128xf32, #tpu.memory_space<vmem>> -> memref<128x128xf32, #tpu.memory_space<vmem>>
        %gather3A_467 = tpu.vector_load_idx %gather3A_466[%add3A_7, %broadcast_in_dim3A] : memref<128x128xf32, #tpu.memory_space<vmem>>[vector<16xi32>, vector<16xi32>], vector<16xf32>,
        %gather3A_468 = arith.constant 2 : i32
        %gather3A_469 = arith.constant 0 : i32
        %gather3A_470 = arith.constant 0 : i32
        %gather3A_471 = tpu.memref_slice %arg6[%gather3A_468, %gather3A_469, %gather3A_470] : memref<4x128x128xf32, #tpu.memory_space<vmem>> -> memref<1x128x128xf32, #tpu.memory_space<vmem>>
        %gather3A_472 = tpu.memref_squeeze %gather3A_471 : memref<1x128x128xf32, #tpu.memory_space<vmem>> -> memref<128x128xf32, #tpu.memory_space<vmem>>
        %gather3A_473 = tpu.vector_load_idx %gather3A_472[%add3A_11, %broadcast_in_dim3A] : memref<128x128xf32, #tpu.memory_space<vmem>>[vector<16xi32>, vector<16xi32>], vector<16xf32>,
        %gather3A_474 = arith.constant 2 : i32
        %gather3A_475 = arith.constant 0 : i32
        %gather3A_476 = arith.constant 0 : i32
        %gather3A_477 = tpu.memref_slice %arg6[%gather3A_474, %gather3A_475, %gather3A_476] : memref<4x128x128xf32, #tpu.memory_space<vmem>> -> memref<1x128x128xf32, #tpu.memory_space<vmem>>
        %gather3A_478 = tpu.memref_squeeze %gather3A_477 : memref<1x128x128xf32, #tpu.memory_space<vmem>> -> memref<128x128xf32, #tpu.memory_space<vmem>>
        %gather3A_479 = tpu.vector_load_idx %gather3A_478[%add3A_15, %broadcast_in_dim3A] : memref<128x128xf32, #tpu.memory_space<vmem>>[vector<16xi32>, vector<16xi32>], vector<16xf32>,
        %gather3A_480 = arith.constant 2 : i32
        %gather3A_481 = arith.constant 0 : i32
        %gather3A_482 = arith.constant 0 : i32
        %gather3A_483 = tpu.memref_slice %arg6[%gather3A_480, %gather3A_481, %gather3A_482] : memref<4x128x128xf32, #tpu.memory_space<vmem>> -> memref<1x128x128xf32, #tpu.memory_space<vmem>>
        %gather3A_484 = tpu.memref_squeeze %gather3A_483 : memref<1x128x128xf32, #tpu.memory_space<vmem>> -> memref<128x128xf32, #tpu.memory_space<vmem>>
        %gather3A_485 = tpu.vector_load_idx %gather3A_484[%add3A_19, %broadcast_in_dim3A] : memref<128x128xf32, #tpu.memory_space<vmem>>[vector<16xi32>, vector<16xi32>], vector<16xf32>,
        %gather3A_486 = arith.constant 2 : i32
        %gather3A_487 = arith.constant 0 : i32
        %gather3A_488 = arith.constant 0 : i32
        %gather3A_489 = tpu.memref_slice %arg6[%gather3A_486, %gather3A_487, %gather3A_488] : memref<4x128x128xf32, #tpu.memory_space<vmem>> -> memref<1x128x128xf32, #tpu.memory_space<vmem>>
        %gather3A_490 = tpu.memref_squeeze %gather3A_489 : memref<1x128x128xf32, #tpu.memory_space<vmem>> -> memref<128x128xf32, #tpu.memory_space<vmem>>
        %gather3A_491 = tpu.vector_load_idx %gather3A_490[%add3A_23, %broadcast_in_dim3A] : memref<128x128xf32, #tpu.memory_space<vmem>>[vector<16xi32>, vector<16xi32>], vector<16xf32>,
        %gather3A_492 = arith.constant 2 : i32
        %gather3A_493 = arith.constant 0 : i32
        %gather3A_494 = arith.constant 0 : i32
        %gather3A_495 = tpu.memref_slice %arg6[%gather3A_492, %gather3A_493, %gather3A_494] : memref<4x128x128xf32, #tpu.memory_space<vmem>> -> memref<1x128x128xf32, #tpu.memory_space<vmem>>
        %gather3A_496 = tpu.memref_squeeze %gather3A_495 : memref<1x128x128xf32, #tpu.memory_space<vmem>> -> memref<128x128xf32, #tpu.memory_space<vmem>>
        %gather3A_497 = tpu.vector_load_idx %gather3A_496[%add3A_27, %broadcast_in_dim3A] : memref<128x128xf32, #tpu.memory_space<vmem>>[vector<16xi32>, vector<16xi32>], vector<16xf32>,
        %gather3A_498 = arith.constant 2 : i32
        %gather3A_499 = arith.constant 0 : i32
        %gather3A_500 = arith.constant 0 : i32
        %gather3A_501 = tpu.memref_slice %arg6[%gather3A_498, %gather3A_499, %gather3A_500] : memref<4x128x128xf32, #tpu.memory_space<vmem>> -> memref<1x128x128xf32, #tpu.memory_space<vmem>>
        %gather3A_502 = tpu.memref_squeeze %gather3A_501 : memref<1x128x128xf32, #tpu.memory_space<vmem>> -> memref<128x128xf32, #tpu.memory_space<vmem>>
        %gather3A_503 = tpu.vector_load_idx %gather3A_502[%add3A_31, %broadcast_in_dim3A] : memref<128x128xf32, #tpu.memory_space<vmem>>[vector<16xi32>, vector<16xi32>], vector<16xf32>,
        %gather3A_504 = arith.constant 2 : i32
        %gather3A_505 = arith.constant 0 : i32
        %gather3A_506 = arith.constant 0 : i32
        %gather3A_507 = tpu.memref_slice %arg6[%gather3A_504, %gather3A_505, %gather3A_506] : memref<4x128x128xf32, #tpu.memory_space<vmem>> -> memref<1x128x128xf32, #tpu.memory_space<vmem>>
        %gather3A_508 = tpu.memref_squeeze %gather3A_507 : memref<1x128x128xf32, #tpu.memory_space<vmem>> -> memref<128x128xf32, #tpu.memory_space<vmem>>
        %gather3A_509 = tpu.vector_load_idx %gather3A_508[%add3A_35, %broadcast_in_dim3A] : memref<128x128xf32, #tpu.memory_space<vmem>>[vector<16xi32>, vector<16xi32>], vector<16xf32>,
        %swap3A = arith.constant 2 : i32
        %swap3A_510 = arith.index_cast %swap3A : i32 to index
        %swap3A_511 = arith.index_cast %select_n3A : i32 to index
        %swap3A_512 = arith.index_cast %select_n3A_462 : i32 to index
        %swap3A_513 = arith.constant 0 : index
        %swap3A_514 = tpu.vector_load %arg7[%swap3A_510, %swap3A_511, %swap3A_512, %swap3A_513] {strides = array<i32>} : memref<4x4x8x128xf32, #tpu.memory_space<vmem>>, vector<16xf32>,
        tpu.vector_store %arg7[%swap3A_510, %swap3A_511, %swap3A_512, %swap3A_513], %gather3A_467 {strides = array<i32>} : memref<4x4x8x128xf32, #tpu.memory_space<vmem>>, vector<16xf32>,
        %swap3A_515 = arith.constant 2 : i32
        %swap3A_516 = arith.index_cast %swap3A_515 : i32 to index
        %swap3A_517 = arith.index_cast %select_n3A : i32 to index
        %swap3A_518 = arith.index_cast %select_n3A_462 : i32 to index
        %swap3A_519 = arith.constant 16 : index
        %swap3A_520 = tpu.vector_load %arg7[%swap3A_516, %swap3A_517, %swap3A_518, %swap3A_519] {strides = array<i32>} : memref<4x4x8x128xf32, #tpu.memory_space<vmem>>, vector<16xf32>,
        tpu.vector_store %arg7[%swap3A_516, %swap3A_517, %swap3A_518, %swap3A_519], %gather3A_473 {strides = array<i32>} : memref<4x4x8x128xf32, #tpu.memory_space<vmem>>, vector<16xf32>,
        %swap3A_521 = arith.constant 2 : i32
        %swap3A_522 = arith.index_cast %swap3A_521 : i32 to index
        %swap3A_523 = arith.index_cast %select_n3A : i32 to index
        %swap3A_524 = arith.index_cast %select_n3A_462 : i32 to index
        %swap3A_525 = arith.constant 32 : index
        %swap3A_526 = tpu.vector_load %arg7[%swap3A_522, %swap3A_523, %swap3A_524, %swap3A_525] {strides = array<i32>} : memref<4x4x8x128xf32, #tpu.memory_space<vmem>>, vector<16xf32>,
        tpu.vector_store %arg7[%swap3A_522, %swap3A_523, %swap3A_524, %swap3A_525], %gather3A_479 {strides = array<i32>} : memref<4x4x8x128xf32, #tpu.memory_space<vmem>>, vector<16xf32>,
        %swap3A_527 = arith.constant 2 : i32
        %swap3A_528 = arith.index_cast %swap3A_527 : i32 to index
        %swap3A_529 = arith.index_cast %select_n3A : i32 to index
        %swap3A_530 = arith.index_cast %select_n3A_462 : i32 to index
        %swap3A_531 = arith.constant 48 : index
        %swap3A_532 = tpu.vector_load %arg7[%swap3A_528, %swap3A_529, %swap3A_530, %swap3A_531] {strides = array<i32>} : memref<4x4x8x128xf32, #tpu.memory_space<vmem>>, vector<16xf32>,
        tpu.vector_store %arg7[%swap3A_528, %swap3A_529, %swap3A_530, %swap3A_531], %gather3A_485 {strides = array<i32>} : memref<4x4x8x128xf32, #tpu.memory_space<vmem>>, vector<16xf32>,
        %swap3A_533 = arith.constant 2 : i32
        %swap3A_534 = arith.index_cast %swap3A_533 : i32 to index
        %swap3A_535 = arith.index_cast %select_n3A : i32 to index
        %swap3A_536 = arith.index_cast %select_n3A_462 : i32 to index
        %swap3A_537 = arith.constant 64 : index
        %swap3A_538 = tpu.vector_load %arg7[%swap3A_534, %swap3A_535, %swap3A_536, %swap3A_537] {strides = array<i32>} : memref<4x4x8x128xf32, #tpu.memory_space<vmem>>, vector<16xf32>,
        tpu.vector_store %arg7[%swap3A_534, %swap3A_535, %swap3A_536, %swap3A_537], %gather3A_491 {strides = array<i32>} : memref<4x4x8x128xf32, #tpu.memory_space<vmem>>, vector<16xf32>,
        %swap3A_539 = arith.constant 2 : i32
        %swap3A_540 = arith.index_cast %swap3A_539 : i32 to index
        %swap3A_541 = arith.index_cast %select_n3A : i32 to index
        %swap3A_542 = arith.index_cast %select_n3A_462 : i32 to index
        %swap3A_543 = arith.constant 80 : index
        %swap3A_544 = tpu.vector_load %arg7[%swap3A_540, %swap3A_541, %swap3A_542, %swap3A_543] {strides = array<i32>} : memref<4x4x8x128xf32, #tpu.memory_space<vmem>>, vector<16xf32>,
        tpu.vector_store %arg7[%swap3A_540, %swap3A_541, %swap3A_542, %swap3A_543], %gather3A_497 {strides = array<i32>} : memref<4x4x8x128xf32, #tpu.memory_space<vmem>>, vector<16xf32>,
        %swap3A_545 = arith.constant 2 : i32
        %swap3A_546 = arith.index_cast %swap3A_545 : i32 to index
        %swap3A_547 = arith.index_cast %select_n3A : i32 to index
        %swap3A_548 = arith.index_cast %select_n3A_462 : i32 to index
        %swap3A_549 = arith.constant 96 : index
        %swap3A_550 = tpu.vector_load %arg7[%swap3A_546, %swap3A_547, %swap3A_548, %swap3A_549] {strides = array<i32>} : memref<4x4x8x128xf32, #tpu.memory_space<vmem>>, vector<16xf32>,
        tpu.vector_store %arg7[%swap3A_546, %swap3A_547, %swap3A_548, %swap3A_549], %gather3A_503 {strides = array<i32>} : memref<4x4x8x128xf32, #tpu.memory_space<vmem>>, vector<16xf32>,
        %swap3A_551 = arith.constant 2 : i32
        %swap3A_552 = arith.index_cast %swap3A_551 : i32 to index
        %swap3A_553 = arith.index_cast %select_n3A : i32 to index
        %swap3A_554 = arith.index_cast %select_n3A_462 : i32 to index
        %swap3A_555 = arith.constant 112 : index
        %swap3A_556 = tpu.vector_load %arg7[%swap3A_552, %swap3A_553, %swap3A_554, %swap3A_555] {strides = array<i32>} : memref<4x4x8x128xf32, #tpu.memory_space<vmem>>, vector<16xf32>,
        tpu.vector_store %arg7[%swap3A_552, %swap3A_553, %swap3A_554, %swap3A_555], %gather3A_509 {strides = array<i32>} : memref<4x4x8x128xf32, #tpu.memory_space<vmem>>, vector<16xf32>,
      }
      %scan3A_340 = arith.constant 32 : i32
      %add3A_341 = arith.constant 1 : i32
      %add3A_342 = arith.addi %scan3A_206, %add3A_341 : i32
      %lt3A_343 = arith.constant 50 : i32
      %lt3A_344 = arith.cmpi slt, %add3A_342, %lt3A_343 : i32
      %convert_element_type3A_345 = arith.extui %lt3A_344 : i1 to i32
      %cond3A_346 = arith.constant 0 : i32
      %cond3A_347 = arith.cmpi ne, %convert_element_type3A_345, %cond3A_346 : i32
      scf.if %cond3A_347 {
        %add3A_431 = arith.constant 1 : i32
        %add3A_432 = arith.addi %scan3A_206, %add3A_431 : i32
        %dma_start3A_433 = arith.constant 2 : i32
        %dma_start3A_434 = arith.constant 2 : i32
        %dma_start3A_435 = arith.constant 0 : i32
        %dma_start3A_436 = arith.constant 0 : i32
        %dma_start3A_437 = tpu.memref_slice %arg6[%dma_start3A_433, %dma_start3A_435, %dma_start3A_436] : memref<4x128x128xf32, #tpu.memory_space<vmem>> -> memref<1x128x128xf32, #tpu.memory_space<vmem>>
        %dma_start3A_438 = tpu.memref_squeeze %dma_start3A_437 : memref<1x128x128xf32, #tpu.memory_space<vmem>> -> memref<128x128xf32, #tpu.memory_space<vmem>>
        %dma_start3A_439 = arith.constant 256 : i32
        %dma_start3A_440 = tpu.memref_slice %arg5[%add3A_432, %dma_start3A_439] : memref<50x512xi32, #tpu.memory_space<vmem>> -> memref<1x128xi32, #tpu.memory_space<vmem>>
        %dma_start3A_441 = tpu.memref_squeeze %dma_start3A_440 : memref<1x128xi32, #tpu.memory_space<vmem>> -> memref<128xi32, #tpu.memory_space<vmem>>
        %dma_start3A_442 = arith.constant 0 : i32
        %dma_start3A_443 = arith.constant 0 : i32
        %dma_start3A_444 = tpu.memref_slice %arg3[%dma_start3A_442, %dma_start3A_443] : memref<1000000x128xf32, #tpu.memory_space<hbm>> -> memref<1000000x128xf32, #tpu.memory_space<hbm>>
        %dma_start3A_445 = tpu.memref_slice %arg8[%dma_start3A_434] : memref<4x!tpu.dma_semaphore, #tpu.memory_space<semaphore_mem>> -> memref<1x!tpu.dma_semaphore, #tpu.memory_space<semaphore_mem>>
        %dma_start3A_446 = tpu.memref_squeeze %dma_start3A_445 : memref<1x!tpu.dma_semaphore, #tpu.memory_space<semaphore_mem>> -> memref<!tpu.dma_semaphore, #tpu.memory_space<semaphore_mem>>
        tpu.enqueue_indirect_dma source(%dma_start3A_444 : memref<1000000x128xf32, #tpu.memory_space<hbm>>) target(%dma_start3A_438 : memref<128x128xf32, #tpu.memory_space<vmem>>) offsets(%dma_start3A_441 : memref<128xi32, #tpu.memory_space<vmem>>) semaphore(%dma_start3A_446 : memref<!tpu.dma_semaphore, #tpu.memory_space<semaphore_mem>>)
      } else {
      }
      %add3A_348 = arith.constant 2 : i32
      %add3A_349 = arith.addi %mul3A_4, %add3A_348 : i32
      %dma_start3A_350 = arith.constant 2 : i32
      %dma_start3A_351 = arith.constant 2 : i32
      %dma_start3A_352 = arith.constant 0 : i32
      %dma_start3A_353 = arith.constant 0 : i32
      %dma_start3A_354 = arith.constant 0 : i32
      %dma_start3A_355 = tpu.memref_slice %arg7[%dma_start3A_350, %dma_start3A_352, %dma_start3A_353, %dma_start3A_354] : memref<4x4x8x128xf32, #tpu.memory_space<vmem>> -> memref<1x4x8x128xf32, #tpu.memory_space<vmem>>
      %dma_start3A_356 = tpu.memref_squeeze %dma_start3A_355 : memref<1x4x8x128xf32, #tpu.memory_space<vmem>> -> memref<4x8x128xf32, #tpu.memory_space<vmem>>
      %dma_start3A_357 = arith.constant 0 : i32
      %dma_start3A_358 = arith.constant 0 : i32
      %dma_start3A_359 = arith.constant 0 : i32
      %dma_start3A_360 = tpu.memref_slice %arg4[%scan3A_206, %dma_start3A_357, %add3A_349, %dma_start3A_358, %dma_start3A_359] : memref<50x4x128x8x128xf32, #tpu.memory_space<hbm>> -> memref<1x4x1x8x128xf32, #tpu.memory_space<hbm>>
      %dma_start3A_361 = tpu.memref_squeeze %dma_start3A_360 : memref<1x4x1x8x128xf32, #tpu.memory_space<hbm>> -> memref<4x8x128xf32, #tpu.memory_space<hbm>>
      %dma_start3A_362 = tpu.memref_slice %arg9[%dma_start3A_351] : memref<4x!tpu.dma_semaphore, #tpu.memory_space<semaphore_mem>> -> memref<1x!tpu.dma_semaphore, #tpu.memory_space<semaphore_mem>>
      %dma_start3A_363 = tpu.memref_squeeze %dma_start3A_362 : memref<1x!tpu.dma_semaphore, #tpu.memory_space<semaphore_mem>> -> memref<!tpu.dma_semaphore, #tpu.memory_space<semaphore_mem>>
      %dma_start3A_364 = arith.constant 0 : i32
      %dma_start3A_365 = arith.constant 0 : i32
      %dma_start3A_366 = arith.constant 0 : i32
      %dma_start3A_367 = tpu.memref_slice %arg4[%scan3A_206, %dma_start3A_364, %add3A_349, %dma_start3A_365, %dma_start3A_366] : memref<50x4x128x8x128xf32, #tpu.memory_space<hbm>> -> memref<1x4x1x8x128xf32, #tpu.memory_space<hbm>>
      %dma_start3A_368 = tpu.memref_squeeze %dma_start3A_367 : memref<1x4x1x8x128xf32, #tpu.memory_space<hbm>> -> memref<4x8x128xf32, #tpu.memory_space<hbm>>
      %dma_start3A_369 = arith.constant 0 : i32
      %dma_start3A_370 = arith.constant 0 : i32
      %dma_start3A_371 = arith.constant 0 : i32
      %dma_start3A_372 = tpu.memref_slice %arg7[%dma_start3A_350, %dma_start3A_369, %dma_start3A_370, %dma_start3A_371] : memref<4x4x8x128xf32, #tpu.memory_space<vmem>> -> memref<1x4x8x128xf32, #tpu.memory_space<vmem>>
      %dma_start3A_373 = tpu.memref_squeeze %dma_start3A_372 : memref<1x4x8x128xf32, #tpu.memory_space<vmem>> -> memref<4x8x128xf32, #tpu.memory_space<vmem>>
      tpu.enqueue_dma source(%dma_start3A_373 : memref<4x8x128xf32, #tpu.memory_space<vmem>>) target(%dma_start3A_368 : memref<4x8x128xf32, #tpu.memory_space<hbm>>) target_semaphore(%dma_start3A_363 : memref<!tpu.dma_semaphore, #tpu.memory_space<semaphore_mem>>)
      %dma_wait3A_374 = arith.constant 3 : i32
      %dma_wait3A_375 = arith.constant 3 : i32
      %dma_wait3A_376 = arith.constant 0 : i32
      %dma_wait3A_377 = arith.constant 0 : i32
      %dma_wait3A_378 = tpu.memref_slice %arg6[%dma_wait3A_374, %dma_wait3A_376, %dma_wait3A_377] : memref<4x128x128xf32, #tpu.memory_space<vmem>> -> memref<1x128x128xf32, #tpu.memory_space<vmem>>
      %dma_wait3A_379 = tpu.memref_squeeze %dma_wait3A_378 : memref<1x128x128xf32, #tpu.memory_space<vmem>> -> memref<128x128xf32, #tpu.memory_space<vmem>>
      %dma_wait3A_380 = arith.constant 384 : i32
      %dma_wait3A_381 = tpu.memref_slice %arg5[%scan3A_206, %dma_wait3A_380] : memref<50x512xi32, #tpu.memory_space<vmem>> -> memref<1x128xi32, #tpu.memory_space<vmem>>
      %dma_wait3A_382 = tpu.memref_squeeze %dma_wait3A_381 : memref<1x128xi32, #tpu.memory_space<vmem>> -> memref<128xi32, #tpu.memory_space<vmem>>
      %dma_wait3A_383 = arith.constant 0 : i32
      %dma_wait3A_384 = arith.constant 0 : i32
      %dma_wait3A_385 = tpu.memref_slice %arg3[%dma_wait3A_383, %dma_wait3A_384] : memref<1000000x128xf32, #tpu.memory_space<hbm>> -> memref<1000000x128xf32, #tpu.memory_space<hbm>>
      %dma_wait3A_386 = tpu.memref_slice %arg8[%dma_wait3A_375] : memref<4x!tpu.dma_semaphore, #tpu.memory_space<semaphore_mem>> -> memref<1x!tpu.dma_semaphore, #tpu.memory_space<semaphore_mem>>
      %dma_wait3A_387 = tpu.memref_squeeze %dma_wait3A_386 : memref<1x!tpu.dma_semaphore, #tpu.memory_space<semaphore_mem>> -> memref<!tpu.dma_semaphore, #tpu.memory_space<semaphore_mem>>
      tpu.wait_indirect_dma semaphore(%dma_wait3A_387 : memref<!tpu.dma_semaphore, #tpu.memory_space<semaphore_mem>>) src(%dma_wait3A_385 : memref<1000000x128xf32, #tpu.memory_space<hbm>>) dst(%dma_wait3A_379 : memref<128x128xf32, #tpu.memory_space<vmem>>)
      %ge3A_388 = arith.constant 1 : i32
      %ge3A_389 = arith.cmpi sge, %scan3A_206, %ge3A_388 : i32
      %convert_element_type3A_390 = arith.extui %ge3A_389 : i1 to i32
      %cond3A_391 = arith.constant 0 : i32
      %cond3A_392 = arith.cmpi ne, %convert_element_type3A_390, %cond3A_391 : i32
      scf.if %cond3A_392 {
        %sub3A = arith.constant 1 : i32
        %sub3A_431 = arith.subi %scan3A_206, %sub3A : i32
        %add3A_432 = arith.constant 3 : i32
        %add3A_433 = arith.addi %mul3A_4, %add3A_432 : i32
        %dma_wait3A_434 = arith.constant 3 : i32
        %dma_wait3A_435 = arith.constant 3 : i32
        %dma_wait3A_436 = arith.constant 0 : i32
        %dma_wait3A_437 = arith.constant 0 : i32
        %dma_wait3A_438 = arith.constant 0 : i32
        %dma_wait3A_439 = tpu.memref_slice %arg7[%dma_wait3A_434, %dma_wait3A_436, %dma_wait3A_437, %dma_wait3A_438] : memref<4x4x8x128xf32, #tpu.memory_space<vmem>> -> memref<1x4x8x128xf32, #tpu.memory_space<vmem>>
        %dma_wait3A_440 = tpu.memref_squeeze %dma_wait3A_439 : memref<1x4x8x128xf32, #tpu.memory_space<vmem>> -> memref<4x8x128xf32, #tpu.memory_space<vmem>>
        %dma_wait3A_441 = arith.constant 0 : i32
        %dma_wait3A_442 = arith.constant 0 : i32
        %dma_wait3A_443 = arith.constant 0 : i32
        %dma_wait3A_444 = tpu.memref_slice %arg4[%sub3A_431, %dma_wait3A_441, %add3A_433, %dma_wait3A_442, %dma_wait3A_443] : memref<50x4x128x8x128xf32, #tpu.memory_space<hbm>> -> memref<1x4x1x8x128xf32, #tpu.memory_space<hbm>>
        %dma_wait3A_445 = tpu.memref_squeeze %dma_wait3A_444 : memref<1x4x1x8x128xf32, #tpu.memory_space<hbm>> -> memref<4x8x128xf32, #tpu.memory_space<hbm>>
        %dma_wait3A_446 = tpu.memref_slice %arg9[%dma_wait3A_435] : memref<4x!tpu.dma_semaphore, #tpu.memory_space<semaphore_mem>> -> memref<1x!tpu.dma_semaphore, #tpu.memory_space<semaphore_mem>>
        %dma_wait3A_447 = tpu.memref_squeeze %dma_wait3A_446 : memref<1x!tpu.dma_semaphore, #tpu.memory_space<semaphore_mem>> -> memref<!tpu.dma_semaphore, #tpu.memory_space<semaphore_mem>>
        %dma_wait3A_448 = arith.constant 0 : i32
        %dma_wait3A_449 = arith.constant 0 : i32
        %dma_wait3A_450 = arith.constant 0 : i32
        %dma_wait3A_451 = tpu.memref_slice %arg4[%sub3A_431, %dma_wait3A_448, %add3A_433, %dma_wait3A_449, %dma_wait3A_450] : memref<50x4x128x8x128xf32, #tpu.memory_space<hbm>> -> memref<1x4x1x8x128xf32, #tpu.memory_space<hbm>>
        %dma_wait3A_452 = tpu.memref_squeeze %dma_wait3A_451 : memref<1x4x1x8x128xf32, #tpu.memory_space<hbm>> -> memref<4x8x128xf32, #tpu.memory_space<hbm>>
        %dma_wait3A_453 = arith.constant 0 : i32
        %dma_wait3A_454 = arith.constant 0 : i32
        %dma_wait3A_455 = arith.constant 0 : i32
        %dma_wait3A_456 = tpu.memref_slice %arg7[%dma_wait3A_434, %dma_wait3A_453, %dma_wait3A_454, %dma_wait3A_455] : memref<4x4x8x128xf32, #tpu.memory_space<vmem>> -> memref<1x4x8x128xf32, #tpu.memory_space<vmem>>
        %dma_wait3A_457 = tpu.memref_squeeze %dma_wait3A_456 : memref<1x4x8x128xf32, #tpu.memory_space<vmem>> -> memref<4x8x128xf32, #tpu.memory_space<vmem>>
        tpu.wait_dma2 semaphore(%dma_wait3A_447 : memref<!tpu.dma_semaphore, #tpu.memory_space<semaphore_mem>>) src(%dma_wait3A_457 : memref<4x8x128xf32, #tpu.memory_space<vmem>>) dst(%dma_wait3A_452 : memref<4x8x128xf32, #tpu.memory_space<hbm>>)
      } else {
      }
      %scan3A_393 = arith.constant 0 : i32
      %scan3A_394 = arith.constant 32 : i32
      %scan3A_395 = arith.addi %scan3A_393, %scan3A_394 : i32
      %scan3A_396 = arith.constant 1 : i32
      scf.for %scan3A_431 = %scan3A_393 to %scan3A_395 step %scan3A_396  : i32 {
        %broadcast_in_dim3A = vector.broadcast %scan3A_431 : i32 to vector<16xi32>
        %jit3A = arith.constant 8 : i32
        %div3A = arith.divsi %scan3A_431, %jit3A : i32
        %sign3A = arith.constant 0 : i32
        %sign3A_432 = arith.cmpi sgt, %scan3A_431, %sign3A : i32
        %sign3A_433 = arith.extui %sign3A_432 : i1 to i32
        %sign3A_434 = arith.constant 0 : i32
        %sign3A_435 = arith.cmpi slt, %scan3A_431, %sign3A_434 : i32
        %sign3A_436 = arith.extui %sign3A_435 : i1 to i32
        %sign3A_437 = arith.subi %sign3A_433, %sign3A_436 : i32
        %sign3A_438 = arith.constant 0 : i32
        %sign3A_439 = arith.cmpi sgt, %jit3A, %sign3A_438 : i32
        %sign3A_440 = arith.extui %sign3A_439 : i1 to i32
        %sign3A_441 = arith.constant 0 : i32
        %sign3A_442 = arith.cmpi slt, %jit3A, %sign3A_441 : i32
        %sign3A_443 = arith.extui %sign3A_442 : i1 to i32
        %sign3A_444 = arith.subi %sign3A_440, %sign3A_443 : i32
        %ne3A = arith.cmpi ne, %sign3A_437, %sign3A_444 : i32
        %rem3A = arith.remsi %scan3A_431, %jit3A : i32
        %ne3A_445 = arith.constant 0 : i32
        %ne3A_446 = arith.cmpi ne, %rem3A, %ne3A_445 : i32
        %and3A = arith.andi %ne3A, %ne3A_446 : i1
        %sub3A = arith.constant 1 : i32
        %sub3A_447 = arith.subi %div3A, %sub3A : i32
        %select_n3A = arith.select %and3A, %sub3A_447, %div3A : i32
        %jit3A_448 = arith.constant 8 : i32
        %eq3A = arith.constant 0 : i32
        %eq3A_449 = arith.cmpi eq, %jit3A_448, %eq3A : i32
        %jit3A_450 = arith.constant 1 : i32
        %select_n3A_451 = arith.select %eq3A_449, %jit3A_450, %jit3A_448 : i32
        %rem3A_452 = arith.remsi %scan3A_431, %select_n3A_451 : i32
        %ne3A_453 = arith.constant 0 : i32
        %ne3A_454 = arith.cmpi ne, %rem3A_452, %ne3A_453 : i32
        %lt3A_455 = arith.constant 0 : i32
        %lt3A_456 = arith.cmpi slt, %rem3A_452, %lt3A_455 : i32
        %lt3A_457 = arith.constant 0 : i32
        %lt3A_458 = arith.cmpi slt, %select_n3A_451, %lt3A_457 : i32
        %ne3A_459 = arith.xori %lt3A_456, %lt3A_458 : i1
        %and3A_460 = arith.andi %ne3A_459, %ne3A_454 : i1
        %add3A_461 = arith.addi %rem3A_452, %select_n3A_451 : i32
        %select_n3A_462 = arith.select %and3A_460, %add3A_461, %rem3A_452 : i32
        %gather3A = arith.constant 3 : i32
        %gather3A_463 = arith.constant 0 : i32
        %gather3A_464 = arith.constant 0 : i32
        %gather3A_465 = tpu.memref_slice %arg6[%gather3A, %gather3A_463, %gather3A_464] : memref<4x128x128xf32, #tpu.memory_space<vmem>> -> memref<1x128x128xf32, #tpu.memory_space<vmem>>
        %gather3A_466 = tpu.memref_squeeze %gather3A_465 : memref<1x128x128xf32, #tpu.memory_space<vmem>> -> memref<128x128xf32, #tpu.memory_space<vmem>>
        %gather3A_467 = tpu.vector_load_idx %gather3A_466[%add3A_7, %broadcast_in_dim3A] : memref<128x128xf32, #tpu.memory_space<vmem>>[vector<16xi32>, vector<16xi32>], vector<16xf32>,
        %gather3A_468 = arith.constant 3 : i32
        %gather3A_469 = arith.constant 0 : i32
        %gather3A_470 = arith.constant 0 : i32
        %gather3A_471 = tpu.memref_slice %arg6[%gather3A_468, %gather3A_469, %gather3A_470] : memref<4x128x128xf32, #tpu.memory_space<vmem>> -> memref<1x128x128xf32, #tpu.memory_space<vmem>>
        %gather3A_472 = tpu.memref_squeeze %gather3A_471 : memref<1x128x128xf32, #tpu.memory_space<vmem>> -> memref<128x128xf32, #tpu.memory_space<vmem>>
        %gather3A_473 = tpu.vector_load_idx %gather3A_472[%add3A_11, %broadcast_in_dim3A] : memref<128x128xf32, #tpu.memory_space<vmem>>[vector<16xi32>, vector<16xi32>], vector<16xf32>,
        %gather3A_474 = arith.constant 3 : i32
        %gather3A_475 = arith.constant 0 : i32
        %gather3A_476 = arith.constant 0 : i32
        %gather3A_477 = tpu.memref_slice %arg6[%gather3A_474, %gather3A_475, %gather3A_476] : memref<4x128x128xf32, #tpu.memory_space<vmem>> -> memref<1x128x128xf32, #tpu.memory_space<vmem>>
        %gather3A_478 = tpu.memref_squeeze %gather3A_477 : memref<1x128x128xf32, #tpu.memory_space<vmem>> -> memref<128x128xf32, #tpu.memory_space<vmem>>
        %gather3A_479 = tpu.vector_load_idx %gather3A_478[%add3A_15, %broadcast_in_dim3A] : memref<128x128xf32, #tpu.memory_space<vmem>>[vector<16xi32>, vector<16xi32>], vector<16xf32>,
        %gather3A_480 = arith.constant 3 : i32
        %gather3A_481 = arith.constant 0 : i32
        %gather3A_482 = arith.constant 0 : i32
        %gather3A_483 = tpu.memref_slice %arg6[%gather3A_480, %gather3A_481, %gather3A_482] : memref<4x128x128xf32, #tpu.memory_space<vmem>> -> memref<1x128x128xf32, #tpu.memory_space<vmem>>
        %gather3A_484 = tpu.memref_squeeze %gather3A_483 : memref<1x128x128xf32, #tpu.memory_space<vmem>> -> memref<128x128xf32, #tpu.memory_space<vmem>>
        %gather3A_485 = tpu.vector_load_idx %gather3A_484[%add3A_19, %broadcast_in_dim3A] : memref<128x128xf32, #tpu.memory_space<vmem>>[vector<16xi32>, vector<16xi32>], vector<16xf32>,
        %gather3A_486 = arith.constant 3 : i32
        %gather3A_487 = arith.constant 0 : i32
        %gather3A_488 = arith.constant 0 : i32
        %gather3A_489 = tpu.memref_slice %arg6[%gather3A_486, %gather3A_487, %gather3A_488] : memref<4x128x128xf32, #tpu.memory_space<vmem>> -> memref<1x128x128xf32, #tpu.memory_space<vmem>>
        %gather3A_490 = tpu.memref_squeeze %gather3A_489 : memref<1x128x128xf32, #tpu.memory_space<vmem>> -> memref<128x128xf32, #tpu.memory_space<vmem>>
        %gather3A_491 = tpu.vector_load_idx %gather3A_490[%add3A_23, %broadcast_in_dim3A] : memref<128x128xf32, #tpu.memory_space<vmem>>[vector<16xi32>, vector<16xi32>], vector<16xf32>,
        %gather3A_492 = arith.constant 3 : i32
        %gather3A_493 = arith.constant 0 : i32
        %gather3A_494 = arith.constant 0 : i32
        %gather3A_495 = tpu.memref_slice %arg6[%gather3A_492, %gather3A_493, %gather3A_494] : memref<4x128x128xf32, #tpu.memory_space<vmem>> -> memref<1x128x128xf32, #tpu.memory_space<vmem>>
        %gather3A_496 = tpu.memref_squeeze %gather3A_495 : memref<1x128x128xf32, #tpu.memory_space<vmem>> -> memref<128x128xf32, #tpu.memory_space<vmem>>
        %gather3A_497 = tpu.vector_load_idx %gather3A_496[%add3A_27, %broadcast_in_dim3A] : memref<128x128xf32, #tpu.memory_space<vmem>>[vector<16xi32>, vector<16xi32>], vector<16xf32>,
        %gather3A_498 = arith.constant 3 : i32
        %gather3A_499 = arith.constant 0 : i32
        %gather3A_500 = arith.constant 0 : i32
        %gather3A_501 = tpu.memref_slice %arg6[%gather3A_498, %gather3A_499, %gather3A_500] : memref<4x128x128xf32, #tpu.memory_space<vmem>> -> memref<1x128x128xf32, #tpu.memory_space<vmem>>
        %gather3A_502 = tpu.memref_squeeze %gather3A_501 : memref<1x128x128xf32, #tpu.memory_space<vmem>> -> memref<128x128xf32, #tpu.memory_space<vmem>>
        %gather3A_503 = tpu.vector_load_idx %gather3A_502[%add3A_31, %broadcast_in_dim3A] : memref<128x128xf32, #tpu.memory_space<vmem>>[vector<16xi32>, vector<16xi32>], vector<16xf32>,
        %gather3A_504 = arith.constant 3 : i32
        %gather3A_505 = arith.constant 0 : i32
        %gather3A_506 = arith.constant 0 : i32
        %gather3A_507 = tpu.memref_slice %arg6[%gather3A_504, %gather3A_505, %gather3A_506] : memref<4x128x128xf32, #tpu.memory_space<vmem>> -> memref<1x128x128xf32, #tpu.memory_space<vmem>>
        %gather3A_508 = tpu.memref_squeeze %gather3A_507 : memref<1x128x128xf32, #tpu.memory_space<vmem>> -> memref<128x128xf32, #tpu.memory_space<vmem>>
        %gather3A_509 = tpu.vector_load_idx %gather3A_508[%add3A_35, %broadcast_in_dim3A] : memref<128x128xf32, #tpu.memory_space<vmem>>[vector<16xi32>, vector<16xi32>], vector<16xf32>,
        %swap3A = arith.constant 3 : i32
        %swap3A_510 = arith.index_cast %swap3A : i32 to index
        %swap3A_511 = arith.index_cast %select_n3A : i32 to index
        %swap3A_512 = arith.index_cast %select_n3A_462 : i32 to index
        %swap3A_513 = arith.constant 0 : index
        %swap3A_514 = tpu.vector_load %arg7[%swap3A_510, %swap3A_511, %swap3A_512, %swap3A_513] {strides = array<i32>} : memref<4x4x8x128xf32, #tpu.memory_space<vmem>>, vector<16xf32>,
        tpu.vector_store %arg7[%swap3A_510, %swap3A_511, %swap3A_512, %swap3A_513], %gather3A_467 {strides = array<i32>} : memref<4x4x8x128xf32, #tpu.memory_space<vmem>>, vector<16xf32>,
        %swap3A_515 = arith.constant 3 : i32
        %swap3A_516 = arith.index_cast %swap3A_515 : i32 to index
        %swap3A_517 = arith.index_cast %select_n3A : i32 to index
        %swap3A_518 = arith.index_cast %select_n3A_462 : i32 to index
        %swap3A_519 = arith.constant 16 : index
        %swap3A_520 = tpu.vector_load %arg7[%swap3A_516, %swap3A_517, %swap3A_518, %swap3A_519] {strides = array<i32>} : memref<4x4x8x128xf32, #tpu.memory_space<vmem>>, vector<16xf32>,
        tpu.vector_store %arg7[%swap3A_516, %swap3A_517, %swap3A_518, %swap3A_519], %gather3A_473 {strides = array<i32>} : memref<4x4x8x128xf32, #tpu.memory_space<vmem>>, vector<16xf32>,
        %swap3A_521 = arith.constant 3 : i32
        %swap3A_522 = arith.index_cast %swap3A_521 : i32 to index
        %swap3A_523 = arith.index_cast %select_n3A : i32 to index
        %swap3A_524 = arith.index_cast %select_n3A_462 : i32 to index
        %swap3A_525 = arith.constant 32 : index
        %swap3A_526 = tpu.vector_load %arg7[%swap3A_522, %swap3A_523, %swap3A_524, %swap3A_525] {strides = array<i32>} : memref<4x4x8x128xf32, #tpu.memory_space<vmem>>, vector<16xf32>,
        tpu.vector_store %arg7[%swap3A_522, %swap3A_523, %swap3A_524, %swap3A_525], %gather3A_479 {strides = array<i32>} : memref<4x4x8x128xf32, #tpu.memory_space<vmem>>, vector<16xf32>,
        %swap3A_527 = arith.constant 3 : i32
        %swap3A_528 = arith.index_cast %swap3A_527 : i32 to index
        %swap3A_529 = arith.index_cast %select_n3A : i32 to index
        %swap3A_530 = arith.index_cast %select_n3A_462 : i32 to index
        %swap3A_531 = arith.constant 48 : index
        %swap3A_532 = tpu.vector_load %arg7[%swap3A_528, %swap3A_529, %swap3A_530, %swap3A_531] {strides = array<i32>} : memref<4x4x8x128xf32, #tpu.memory_space<vmem>>, vector<16xf32>,
        tpu.vector_store %arg7[%swap3A_528, %swap3A_529, %swap3A_530, %swap3A_531], %gather3A_485 {strides = array<i32>} : memref<4x4x8x128xf32, #tpu.memory_space<vmem>>, vector<16xf32>,
        %swap3A_533 = arith.constant 3 : i32
        %swap3A_534 = arith.index_cast %swap3A_533 : i32 to index
        %swap3A_535 = arith.index_cast %select_n3A : i32 to index
        %swap3A_536 = arith.index_cast %select_n3A_462 : i32 to index
        %swap3A_537 = arith.constant 64 : index
        %swap3A_538 = tpu.vector_load %arg7[%swap3A_534, %swap3A_535, %swap3A_536, %swap3A_537] {strides = array<i32>} : memref<4x4x8x128xf32, #tpu.memory_space<vmem>>, vector<16xf32>,
        tpu.vector_store %arg7[%swap3A_534, %swap3A_535, %swap3A_536, %swap3A_537], %gather3A_491 {strides = array<i32>} : memref<4x4x8x128xf32, #tpu.memory_space<vmem>>, vector<16xf32>,
        %swap3A_539 = arith.constant 3 : i32
        %swap3A_540 = arith.index_cast %swap3A_539 : i32 to index
        %swap3A_541 = arith.index_cast %select_n3A : i32 to index
        %swap3A_542 = arith.index_cast %select_n3A_462 : i32 to index
        %swap3A_543 = arith.constant 80 : index
        %swap3A_544 = tpu.vector_load %arg7[%swap3A_540, %swap3A_541, %swap3A_542, %swap3A_543] {strides = array<i32>} : memref<4x4x8x128xf32, #tpu.memory_space<vmem>>, vector<16xf32>,
        tpu.vector_store %arg7[%swap3A_540, %swap3A_541, %swap3A_542, %swap3A_543], %gather3A_497 {strides = array<i32>} : memref<4x4x8x128xf32, #tpu.memory_space<vmem>>, vector<16xf32>,
        %swap3A_545 = arith.constant 3 : i32
        %swap3A_546 = arith.index_cast %swap3A_545 : i32 to index
        %swap3A_547 = arith.index_cast %select_n3A : i32 to index
        %swap3A_548 = arith.index_cast %select_n3A_462 : i32 to index
        %swap3A_549 = arith.constant 96 : index
        %swap3A_550 = tpu.vector_load %arg7[%swap3A_546, %swap3A_547, %swap3A_548, %swap3A_549] {strides = array<i32>} : memref<4x4x8x128xf32, #tpu.memory_space<vmem>>, vector<16xf32>,
        tpu.vector_store %arg7[%swap3A_546, %swap3A_547, %swap3A_548, %swap3A_549], %gather3A_503 {strides = array<i32>} : memref<4x4x8x128xf32, #tpu.memory_space<vmem>>, vector<16xf32>,
        %swap3A_551 = arith.constant 3 : i32
        %swap3A_552 = arith.index_cast %swap3A_551 : i32 to index
        %swap3A_553 = arith.index_cast %select_n3A : i32 to index
        %swap3A_554 = arith.index_cast %select_n3A_462 : i32 to index
        %swap3A_555 = arith.constant 112 : index
        %swap3A_556 = tpu.vector_load %arg7[%swap3A_552, %swap3A_553, %swap3A_554, %swap3A_555] {strides = array<i32>} : memref<4x4x8x128xf32, #tpu.memory_space<vmem>>, vector<16xf32>,
        tpu.vector_store %arg7[%swap3A_552, %swap3A_553, %swap3A_554, %swap3A_555], %gather3A_509 {strides = array<i32>} : memref<4x4x8x128xf32, #tpu.memory_space<vmem>>, vector<16xf32>,
      }
      %scan3A_397 = arith.constant 32 : i32
      %add3A_398 = arith.constant 1 : i32
      %add3A_399 = arith.addi %scan3A_206, %add3A_398 : i32
      %lt3A_400 = arith.constant 50 : i32
      %lt3A_401 = arith.cmpi slt, %add3A_399, %lt3A_400 : i32
      %convert_element_type3A_402 = arith.extui %lt3A_401 : i1 to i32
      %cond3A_403 = arith.constant 0 : i32
      %cond3A_404 = arith.cmpi ne, %convert_element_type3A_402, %cond3A_403 : i32
      scf.if %cond3A_404 {
        %add3A_431 = arith.constant 1 : i32
        %add3A_432 = arith.addi %scan3A_206, %add3A_431 : i32
        %dma_start3A_433 = arith.constant 3 : i32
        %dma_start3A_434 = arith.constant 3 : i32
        %dma_start3A_435 = arith.constant 0 : i32
        %dma_start3A_436 = arith.constant 0 : i32
        %dma_start3A_437 = tpu.memref_slice %arg6[%dma_start3A_433, %dma_start3A_435, %dma_start3A_436] : memref<4x128x128xf32, #tpu.memory_space<vmem>> -> memref<1x128x128xf32, #tpu.memory_space<vmem>>
        %dma_start3A_438 = tpu.memref_squeeze %dma_start3A_437 : memref<1x128x128xf32, #tpu.memory_space<vmem>> -> memref<128x128xf32, #tpu.memory_space<vmem>>
        %dma_start3A_439 = arith.constant 384 : i32
        %dma_start3A_440 = tpu.memref_slice %arg5[%add3A_432, %dma_start3A_439] : memref<50x512xi32, #tpu.memory_space<vmem>> -> memref<1x128xi32, #tpu.memory_space<vmem>>
        %dma_start3A_441 = tpu.memref_squeeze %dma_start3A_440 : memref<1x128xi32, #tpu.memory_space<vmem>> -> memref<128xi32, #tpu.memory_space<vmem>>
        %dma_start3A_442 = arith.constant 0 : i32
        %dma_start3A_443 = arith.constant 0 : i32
        %dma_start3A_444 = tpu.memref_slice %arg3[%dma_start3A_442, %dma_start3A_443] : memref<1000000x128xf32, #tpu.memory_space<hbm>> -> memref<1000000x128xf32, #tpu.memory_space<hbm>>
        %dma_start3A_445 = tpu.memref_slice %arg8[%dma_start3A_434] : memref<4x!tpu.dma_semaphore, #tpu.memory_space<semaphore_mem>> -> memref<1x!tpu.dma_semaphore, #tpu.memory_space<semaphore_mem>>
        %dma_start3A_446 = tpu.memref_squeeze %dma_start3A_445 : memref<1x!tpu.dma_semaphore, #tpu.memory_space<semaphore_mem>> -> memref<!tpu.dma_semaphore, #tpu.memory_space<semaphore_mem>>
        tpu.enqueue_indirect_dma source(%dma_start3A_444 : memref<1000000x128xf32, #tpu.memory_space<hbm>>) target(%dma_start3A_438 : memref<128x128xf32, #tpu.memory_space<vmem>>) offsets(%dma_start3A_441 : memref<128xi32, #tpu.memory_space<vmem>>) semaphore(%dma_start3A_446 : memref<!tpu.dma_semaphore, #tpu.memory_space<semaphore_mem>>)
      } else {
      }
      %add3A_405 = arith.constant 3 : i32
      %add3A_406 = arith.addi %mul3A_4, %add3A_405 : i32
      %dma_start3A_407 = arith.constant 3 : i32
      %dma_start3A_408 = arith.constant 3 : i32
      %dma_start3A_409 = arith.constant 0 : i32
      %dma_start3A_410 = arith.constant 0 : i32
      %dma_start3A_411 = arith.constant 0 : i32
      %dma_start3A_412 = tpu.memref_slice %arg7[%dma_start3A_407, %dma_start3A_409, %dma_start3A_410, %dma_start3A_411] : memref<4x4x8x128xf32, #tpu.memory_space<vmem>> -> memref<1x4x8x128xf32, #tpu.memory_space<vmem>>
      %dma_start3A_413 = tpu.memref_squeeze %dma_start3A_412 : memref<1x4x8x128xf32, #tpu.memory_space<vmem>> -> memref<4x8x128xf32, #tpu.memory_space<vmem>>
      %dma_start3A_414 = arith.constant 0 : i32
      %dma_start3A_415 = arith.constant 0 : i32
      %dma_start3A_416 = arith.constant 0 : i32
      %dma_start3A_417 = tpu.memref_slice %arg4[%scan3A_206, %dma_start3A_414, %add3A_406, %dma_start3A_415, %dma_start3A_416] : memref<50x4x128x8x128xf32, #tpu.memory_space<hbm>> -> memref<1x4x1x8x128xf32, #tpu.memory_space<hbm>>
      %dma_start3A_418 = tpu.memref_squeeze %dma_start3A_417 : memref<1x4x1x8x128xf32, #tpu.memory_space<hbm>> -> memref<4x8x128xf32, #tpu.memory_space<hbm>>
      %dma_start3A_419 = tpu.memref_slice %arg9[%dma_start3A_408] : memref<4x!tpu.dma_semaphore, #tpu.memory_space<semaphore_mem>> -> memref<1x!tpu.dma_semaphore, #tpu.memory_space<semaphore_mem>>
      %dma_start3A_420 = tpu.memref_squeeze %dma_start3A_419 : memref<1x!tpu.dma_semaphore, #tpu.memory_space<semaphore_mem>> -> memref<!tpu.dma_semaphore, #tpu.memory_space<semaphore_mem>>
      %dma_start3A_421 = arith.constant 0 : i32
      %dma_start3A_422 = arith.constant 0 : i32
      %dma_start3A_423 = arith.constant 0 : i32
      %dma_start3A_424 = tpu.memref_slice %arg4[%scan3A_206, %dma_start3A_421, %add3A_406, %dma_start3A_422, %dma_start3A_423] : memref<50x4x128x8x128xf32, #tpu.memory_space<hbm>> -> memref<1x4x1x8x128xf32, #tpu.memory_space<hbm>>
      %dma_start3A_425 = tpu.memref_squeeze %dma_start3A_424 : memref<1x4x1x8x128xf32, #tpu.memory_space<hbm>> -> memref<4x8x128xf32, #tpu.memory_space<hbm>>
      %dma_start3A_426 = arith.constant 0 : i32
      %dma_start3A_427 = arith.constant 0 : i32
      %dma_start3A_428 = arith.constant 0 : i32
      %dma_start3A_429 = tpu.memref_slice %arg7[%dma_start3A_407, %dma_start3A_426, %dma_start3A_427, %dma_start3A_428] : memref<4x4x8x128xf32, #tpu.memory_space<vmem>> -> memref<1x4x8x128xf32, #tpu.memory_space<vmem>>
      %dma_start3A_430 = tpu.memref_squeeze %dma_start3A_429 : memref<1x4x8x128xf32, #tpu.memory_space<vmem>> -> memref<4x8x128xf32, #tpu.memory_space<vmem>>
      tpu.enqueue_dma source(%dma_start3A_430 : memref<4x8x128xf32, #tpu.memory_space<vmem>>) target(%dma_start3A_425 : memref<4x8x128xf32, #tpu.memory_space<hbm>>) target_semaphore(%dma_start3A_420 : memref<!tpu.dma_semaphore, #tpu.memory_space<semaphore_mem>>)
    }
    %scan3A_98 = arith.constant 50 : i32
    %add3A_99 = arith.constant 0 : i32
    %add3A_100 = arith.addi %mul3A_4, %add3A_99 : i32
    %dma_wait3A = arith.constant 0 : i32
    %dma_wait3A_101 = arith.constant 49 : i32
    %dma_wait3A_102 = arith.constant 0 : i32
    %dma_wait3A_103 = arith.constant 0 : i32
    %dma_wait3A_104 = arith.constant 0 : i32
    %dma_wait3A_105 = arith.constant 0 : i32
    %dma_wait3A_106 = tpu.memref_slice %arg7[%dma_wait3A, %dma_wait3A_103, %dma_wait3A_104, %dma_wait3A_105] : memref<4x4x8x128xf32, #tpu.memory_space<vmem>> -> memref<1x4x8x128xf32, #tpu.memory_space<vmem>>
    %dma_wait3A_107 = tpu.memref_squeeze %dma_wait3A_106 : memref<1x4x8x128xf32, #tpu.memory_space<vmem>> -> memref<4x8x128xf32, #tpu.memory_space<vmem>>
    %dma_wait3A_108 = arith.constant 0 : i32
    %dma_wait3A_109 = arith.constant 0 : i32
    %dma_wait3A_110 = arith.constant 0 : i32
    %dma_wait3A_111 = tpu.memref_slice %arg4[%dma_wait3A_101, %dma_wait3A_108, %add3A_100, %dma_wait3A_109, %dma_wait3A_110] : memref<50x4x128x8x128xf32, #tpu.memory_space<hbm>> -> memref<1x4x1x8x128xf32, #tpu.memory_space<hbm>>
    %dma_wait3A_112 = tpu.memref_squeeze %dma_wait3A_111 : memref<1x4x1x8x128xf32, #tpu.memory_space<hbm>> -> memref<4x8x128xf32, #tpu.memory_space<hbm>>
    %dma_wait3A_113 = tpu.memref_slice %arg9[%dma_wait3A_102] : memref<4x!tpu.dma_semaphore, #tpu.memory_space<semaphore_mem>> -> memref<1x!tpu.dma_semaphore, #tpu.memory_space<semaphore_mem>>
    %dma_wait3A_114 = tpu.memref_squeeze %dma_wait3A_113 : memref<1x!tpu.dma_semaphore, #tpu.memory_space<semaphore_mem>> -> memref<!tpu.dma_semaphore, #tpu.memory_space<semaphore_mem>>
    %dma_wait3A_115 = arith.constant 0 : i32
    %dma_wait3A_116 = arith.constant 0 : i32
    %dma_wait3A_117 = arith.constant 0 : i32
    %dma_wait3A_118 = tpu.memref_slice %arg4[%dma_wait3A_101, %dma_wait3A_115, %add3A_100, %dma_wait3A_116, %dma_wait3A_117] : memref<50x4x128x8x128xf32, #tpu.memory_space<hbm>> -> memref<1x4x1x8x128xf32, #tpu.memory_space<hbm>>
    %dma_wait3A_119 = tpu.memref_squeeze %dma_wait3A_118 : memref<1x4x1x8x128xf32, #tpu.memory_space<hbm>> -> memref<4x8x128xf32, #tpu.memory_space<hbm>>
    %dma_wait3A_120 = arith.constant 0 : i32
    %dma_wait3A_121 = arith.constant 0 : i32
    %dma_wait3A_122 = arith.constant 0 : i32
    %dma_wait3A_123 = tpu.memref_slice %arg7[%dma_wait3A, %dma_wait3A_120, %dma_wait3A_121, %dma_wait3A_122] : memref<4x4x8x128xf32, #tpu.memory_space<vmem>> -> memref<1x4x8x128xf32, #tpu.memory_space<vmem>>
    %dma_wait3A_124 = tpu.memref_squeeze %dma_wait3A_123 : memref<1x4x8x128xf32, #tpu.memory_space<vmem>> -> memref<4x8x128xf32, #tpu.memory_space<vmem>>
    tpu.wait_dma2 semaphore(%dma_wait3A_114 : memref<!tpu.dma_semaphore, #tpu.memory_space<semaphore_mem>>) src(%dma_wait3A_124 : memref<4x8x128xf32, #tpu.memory_space<vmem>>) dst(%dma_wait3A_119 : memref<4x8x128xf32, #tpu.memory_space<hbm>>)
    %add3A_125 = arith.constant 1 : i32
    %add3A_126 = arith.addi %mul3A_4, %add3A_125 : i32
    %dma_wait3A_127 = arith.constant 1 : i32
    %dma_wait3A_128 = arith.constant 49 : i32
    %dma_wait3A_129 = arith.constant 1 : i32
    %dma_wait3A_130 = arith.constant 0 : i32
    %dma_wait3A_131 = arith.constant 0 : i32
    %dma_wait3A_132 = arith.constant 0 : i32
    %dma_wait3A_133 = tpu.memref_slice %arg7[%dma_wait3A_127, %dma_wait3A_130, %dma_wait3A_131, %dma_wait3A_132] : memref<4x4x8x128xf32, #tpu.memory_space<vmem>> -> memref<1x4x8x128xf32, #tpu.memory_space<vmem>>
    %dma_wait3A_134 = tpu.memref_squeeze %dma_wait3A_133 : memref<1x4x8x128xf32, #tpu.memory_space<vmem>> -> memref<4x8x128xf32, #tpu.memory_space<vmem>>
    %dma_wait3A_135 = arith.constant 0 : i32
    %dma_wait3A_136 = arith.constant 0 : i32
    %dma_wait3A_137 = arith.constant 0 : i32
    %dma_wait3A_138 = tpu.memref_slice %arg4[%dma_wait3A_128, %dma_wait3A_135, %add3A_126, %dma_wait3A_136, %dma_wait3A_137] : memref<50x4x128x8x128xf32, #tpu.memory_space<hbm>> -> memref<1x4x1x8x128xf32, #tpu.memory_space<hbm>>
    %dma_wait3A_139 = tpu.memref_squeeze %dma_wait3A_138 : memref<1x4x1x8x128xf32, #tpu.memory_space<hbm>> -> memref<4x8x128xf32, #tpu.memory_space<hbm>>
    %dma_wait3A_140 = tpu.memref_slice %arg9[%dma_wait3A_129] : memref<4x!tpu.dma_semaphore, #tpu.memory_space<semaphore_mem>> -> memref<1x!tpu.dma_semaphore, #tpu.memory_space<semaphore_mem>>
    %dma_wait3A_141 = tpu.memref_squeeze %dma_wait3A_140 : memref<1x!tpu.dma_semaphore, #tpu.memory_space<semaphore_mem>> -> memref<!tpu.dma_semaphore, #tpu.memory_space<semaphore_mem>>
    %dma_wait3A_142 = arith.constant 0 : i32
    %dma_wait3A_143 = arith.constant 0 : i32
    %dma_wait3A_144 = arith.constant 0 : i32
    %dma_wait3A_145 = tpu.memref_slice %arg4[%dma_wait3A_128, %dma_wait3A_142, %add3A_126, %dma_wait3A_143, %dma_wait3A_144] : memref<50x4x128x8x128xf32, #tpu.memory_space<hbm>> -> memref<1x4x1x8x128xf32, #tpu.memory_space<hbm>>
    %dma_wait3A_146 = tpu.memref_squeeze %dma_wait3A_145 : memref<1x4x1x8x128xf32, #tpu.memory_space<hbm>> -> memref<4x8x128xf32, #tpu.memory_space<hbm>>
    %dma_wait3A_147 = arith.constant 0 : i32
    %dma_wait3A_148 = arith.constant 0 : i32
    %dma_wait3A_149 = arith.constant 0 : i32
    %dma_wait3A_150 = tpu.memref_slice %arg7[%dma_wait3A_127, %dma_wait3A_147, %dma_wait3A_148, %dma_wait3A_149] : memref<4x4x8x128xf32, #tpu.memory_space<vmem>> -> memref<1x4x8x128xf32, #tpu.memory_space<vmem>>
    %dma_wait3A_151 = tpu.memref_squeeze %dma_wait3A_150 : memref<1x4x8x128xf32, #tpu.memory_space<vmem>> -> memref<4x8x128xf32, #tpu.memory_space<vmem>>
    tpu.wait_dma2 semaphore(%dma_wait3A_141 : memref<!tpu.dma_semaphore, #tpu.memory_space<semaphore_mem>>) src(%dma_wait3A_151 : memref<4x8x128xf32, #tpu.memory_space<vmem>>) dst(%dma_wait3A_146 : memref<4x8x128xf32, #tpu.memory_space<hbm>>)
    %add3A_152 = arith.constant 2 : i32
    %add3A_153 = arith.addi %mul3A_4, %add3A_152 : i32
    %dma_wait3A_154 = arith.constant 2 : i32
    %dma_wait3A_155 = arith.constant 49 : i32
    %dma_wait3A_156 = arith.constant 2 : i32
    %dma_wait3A_157 = arith.constant 0 : i32
    %dma_wait3A_158 = arith.constant 0 : i32
    %dma_wait3A_159 = arith.constant 0 : i32
    %dma_wait3A_160 = tpu.memref_slice %arg7[%dma_wait3A_154, %dma_wait3A_157, %dma_wait3A_158, %dma_wait3A_159] : memref<4x4x8x128xf32, #tpu.memory_space<vmem>> -> memref<1x4x8x128xf32, #tpu.memory_space<vmem>>
    %dma_wait3A_161 = tpu.memref_squeeze %dma_wait3A_160 : memref<1x4x8x128xf32, #tpu.memory_space<vmem>> -> memref<4x8x128xf32, #tpu.memory_space<vmem>>
    %dma_wait3A_162 = arith.constant 0 : i32
    %dma_wait3A_163 = arith.constant 0 : i32
    %dma_wait3A_164 = arith.constant 0 : i32
    %dma_wait3A_165 = tpu.memref_slice %arg4[%dma_wait3A_155, %dma_wait3A_162, %add3A_153, %dma_wait3A_163, %dma_wait3A_164] : memref<50x4x128x8x128xf32, #tpu.memory_space<hbm>> -> memref<1x4x1x8x128xf32, #tpu.memory_space<hbm>>
    %dma_wait3A_166 = tpu.memref_squeeze %dma_wait3A_165 : memref<1x4x1x8x128xf32, #tpu.memory_space<hbm>> -> memref<4x8x128xf32, #tpu.memory_space<hbm>>
    %dma_wait3A_167 = tpu.memref_slice %arg9[%dma_wait3A_156] : memref<4x!tpu.dma_semaphore, #tpu.memory_space<semaphore_mem>> -> memref<1x!tpu.dma_semaphore, #tpu.memory_space<semaphore_mem>>
    %dma_wait3A_168 = tpu.memref_squeeze %dma_wait3A_167 : memref<1x!tpu.dma_semaphore, #tpu.memory_space<semaphore_mem>> -> memref<!tpu.dma_semaphore, #tpu.memory_space<semaphore_mem>>
    %dma_wait3A_169 = arith.constant 0 : i32
    %dma_wait3A_170 = arith.constant 0 : i32
    %dma_wait3A_171 = arith.constant 0 : i32
    %dma_wait3A_172 = tpu.memref_slice %arg4[%dma_wait3A_155, %dma_wait3A_169, %add3A_153, %dma_wait3A_170, %dma_wait3A_171] : memref<50x4x128x8x128xf32, #tpu.memory_space<hbm>> -> memref<1x4x1x8x128xf32, #tpu.memory_space<hbm>>
    %dma_wait3A_173 = tpu.memref_squeeze %dma_wait3A_172 : memref<1x4x1x8x128xf32, #tpu.memory_space<hbm>> -> memref<4x8x128xf32, #tpu.memory_space<hbm>>
    %dma_wait3A_174 = arith.constant 0 : i32
    %dma_wait3A_175 = arith.constant 0 : i32
    %dma_wait3A_176 = arith.constant 0 : i32
    %dma_wait3A_177 = tpu.memref_slice %arg7[%dma_wait3A_154, %dma_wait3A_174, %dma_wait3A_175, %dma_wait3A_176] : memref<4x4x8x128xf32, #tpu.memory_space<vmem>> -> memref<1x4x8x128xf32, #tpu.memory_space<vmem>>
    %dma_wait3A_178 = tpu.memref_squeeze %dma_wait3A_177 : memref<1x4x8x128xf32, #tpu.memory_space<vmem>> -> memref<4x8x128xf32, #tpu.memory_space<vmem>>
    tpu.wait_dma2 semaphore(%dma_wait3A_168 : memref<!tpu.dma_semaphore, #tpu.memory_space<semaphore_mem>>) src(%dma_wait3A_178 : memref<4x8x128xf32, #tpu.memory_space<vmem>>) dst(%dma_wait3A_173 : memref<4x8x128xf32, #tpu.memory_space<hbm>>)
    %add3A_179 = arith.constant 3 : i32
    %add3A_180 = arith.addi %mul3A_4, %add3A_179 : i32
    %dma_wait3A_181 = arith.constant 3 : i32
    %dma_wait3A_182 = arith.constant 49 : i32
    %dma_wait3A_183 = arith.constant 3 : i32
    %dma_wait3A_184 = arith.constant 0 : i32
    %dma_wait3A_185 = arith.constant 0 : i32
    %dma_wait3A_186 = arith.constant 0 : i32
    %dma_wait3A_187 = tpu.memref_slice %arg7[%dma_wait3A_181, %dma_wait3A_184, %dma_wait3A_185, %dma_wait3A_186] : memref<4x4x8x128xf32, #tpu.memory_space<vmem>> -> memref<1x4x8x128xf32, #tpu.memory_space<vmem>>
    %dma_wait3A_188 = tpu.memref_squeeze %dma_wait3A_187 : memref<1x4x8x128xf32, #tpu.memory_space<vmem>> -> memref<4x8x128xf32, #tpu.memory_space<vmem>>
    %dma_wait3A_189 = arith.constant 0 : i32
    %dma_wait3A_190 = arith.constant 0 : i32
    %dma_wait3A_191 = arith.constant 0 : i32
    %dma_wait3A_192 = tpu.memref_slice %arg4[%dma_wait3A_182, %dma_wait3A_189, %add3A_180, %dma_wait3A_190, %dma_wait3A_191] : memref<50x4x128x8x128xf32, #tpu.memory_space<hbm>> -> memref<1x4x1x8x128xf32, #tpu.memory_space<hbm>>
    %dma_wait3A_193 = tpu.memref_squeeze %dma_wait3A_192 : memref<1x4x1x8x128xf32, #tpu.memory_space<hbm>> -> memref<4x8x128xf32, #tpu.memory_space<hbm>>
    %dma_wait3A_194 = tpu.memref_slice %arg9[%dma_wait3A_183] : memref<4x!tpu.dma_semaphore, #tpu.memory_space<semaphore_mem>> -> memref<1x!tpu.dma_semaphore, #tpu.memory_space<semaphore_mem>>
    %dma_wait3A_195 = tpu.memref_squeeze %dma_wait3A_194 : memref<1x!tpu.dma_semaphore, #tpu.memory_space<semaphore_mem>> -> memref<!tpu.dma_semaphore, #tpu.memory_space<semaphore_mem>>
    %dma_wait3A_196 = arith.constant 0 : i32
    %dma_wait3A_197 = arith.constant 0 : i32
    %dma_wait3A_198 = arith.constant 0 : i32
    %dma_wait3A_199 = tpu.memref_slice %arg4[%dma_wait3A_182, %dma_wait3A_196, %add3A_180, %dma_wait3A_197, %dma_wait3A_198] : memref<50x4x128x8x128xf32, #tpu.memory_space<hbm>> -> memref<1x4x1x8x128xf32, #tpu.memory_space<hbm>>
    %dma_wait3A_200 = tpu.memref_squeeze %dma_wait3A_199 : memref<1x4x1x8x128xf32, #tpu.memory_space<hbm>> -> memref<4x8x128xf32, #tpu.memory_space<hbm>>
    %dma_wait3A_201 = arith.constant 0 : i32
    %dma_wait3A_202 = arith.constant 0 : i32
    %dma_wait3A_203 = arith.constant 0 : i32
    %dma_wait3A_204 = tpu.memref_slice %arg7[%dma_wait3A_181, %dma_wait3A_201, %dma_wait3A_202, %dma_wait3A_203] : memref<4x4x8x128xf32, #tpu.memory_space<vmem>> -> memref<1x4x8x128xf32, #tpu.memory_space<vmem>>
    %dma_wait3A_205 = tpu.memref_squeeze %dma_wait3A_204 : memref<1x4x8x128xf32, #tpu.memory_space<vmem>> -> memref<4x8x128xf32, #tpu.memory_space<vmem>>
    tpu.wait_dma2 semaphore(%dma_wait3A_195 : memref<!tpu.dma_semaphore, #tpu.memory_space<semaphore_mem>>) src(%dma_wait3A_205 : memref<4x8x128xf32, #tpu.memory_space<vmem>>) dst(%dma_wait3A_200 : memref<4x8x128xf32, #tpu.memory_space<hbm>>)
    return
  }
}

</mosaic_0001>

<sc_bundles>
// kernel: kernel.3.cloned.1.call-start
scs
__scs_entry_jumppad:
0x0: {  	(pc) =	sbr.rel $0x88, $3  }
0x1: {  	(tag) =	ssettag $0x0;
	lr =	simm.s32 $0x1  }
0x2: {  	[smem:$0x3F9F] =	sst lr;
	_ =	strace $0xD0000000  }
0x3: {  	_ = 	snop  }
0x4: {  	_ = 	snop  }
0x5: {  	_ = 	snop  }
0x6: {  	_ = 	snop  }
0x7: {  	_ = 	snop  }
__scs_overlays_trampoline_lowered:
0x8: {  	[smem:$0x3FAE] =	sst s0  }
0x9: {  	[smem:$0x3FAF] =	sst s1  }
0xa: {  	[smem:$0x3FB0] =	sst s2  }
0xb: {  	[smem:$0x3FB1] =	sst s3  }
0xc: {  	[smem:$0x3FB2] =	sst s4  }
0xd: {  	[smem:$0x3FB3] =	sst s5  }
0xe: {  	[smem:$0x3FB4] =	sst s6  }
0xf: {  	[smem:$0x3FB5] =	sst s7  }
0x10: {  	[smem:$0x3FB6] =	sst s8  }
0x11: {  	[smem:$0x3FB7] =	sst s9;
	s0 =	simm.s32 @!p0 $0x0  }
0x12: {  	s1 =	sld [smem:$0x3F9D];
	s0 =	simm.s32 @p0 $0x1  }
0x13: {  	[smem:$0x3FB8] =	sst s0;
	s0 =	simm.s32 @!p1 $0x0  }
0x14: {  	s2 =	sld [smem:$0x3F9C];
	s0 =	simm.s32 @p1 $0x1  }
0x15: {  	[smem:$0x3FB9] =	sst s0;
	s0 =	simm.s32 @!p2 $0x0  }
0x16: {  	s3 =	sld [smem:$0x3FDB];
	s0 =	simm.s32 @p2 $0x1  }
0x17: {  	s4 =	simm.s32 $0x1BF5;
	[smem:$0x3FBB] =	sst s0  }
0x18: {  	s0 =	sld [smem:$0x3F9E];
	_ =	swait.ge [sflag:s4], $0x0  }
0x19: {  	s7 =	sld [smem:$0x3F9F]  }
0x1a: {  	s8 =	sadd.s32 $0xFFFFE003, lr  }
0x1b: {  	s9 =	sadd.s32 $0xFFFFFEF7, lr;
	s5 =	simm.s32 $0xFFFFFFFF;
	p2 =	slt.u32 s8, $0xFFFFF086  }
0x1c: {  	p1 =	slt.u32 s9, $0xF7A;
	s5 =	simm.s32 @!p2 $0x0  }
0x1d: {  	s5 =	simm.s32 @p1 $0x1;
	p0 =	seq.s32 s7, s2  }
0x1e: {  	s7 =	smul.u32 @!p0 $0xF7A, s2;
	p2 =	seq.s32 @!p0 s5, $0x0  }
0x1f: {  	s9 =	smul.u32 $0xF7A, s1;
	s8 =	simm.s32 @!p0 $0x1BF5;
	p2 =	por !p2, p0  }
0x20: {  	[sflag:s8] =	ssyncset.s32 @!p0 $0xFFFFF086;
	s6 =	sadd.s32 @!p0 s3, s7;
	s7 =	simm.s32 @!p0 $0x108  }
0x21: {  	s3 =	sadd.s32 s3, s9;
	s6 =	sadd.s32 @!p0 $0x88, s6;
	s7 =	simm.s32 @p2 $0x1082  }
0x22: {  	[simem:s7], [sflag:s8] =	dma.local @!p0 [hbm:s6], $0xF7A  }
0x23: {  	s9 =	sor.u32 $0xD0000000, s2;
	s6 =	simm.s32 $0x108;
	_ =	swait.ge @!p0 [sflag:s8], $0x0  }
0x24: {  	s3 =	sadd.s32 $0x88, s3;
	s6 =	simm.s32 @!p1 $0x1082;
	[sflag:s4] =	ssyncset.s32 $0xFFFFF086  }
0x25: {  	[simem:s6], [sflag:s4] =	dma.local [hbm:s3], $0xF7A  }
0x26: {  	[smem:$0x3F9F] =	sst s1;
	(tag) =	ssettag s2;
	_ =	strace s9  }
0x27: {  	s1 =	sld [smem:$0x3FAF]  }
0x28: {  	s2 =	sld [smem:$0x3FB0]  }
0x29: {  	s4 =	sld [smem:$0x3FB2]  }
0x2a: {  	p0 =	seq.s32 s5, $0x0;
	s5 =	sld [smem:$0x3FB3]  }
0x2b: {  	s6 =	sld [smem:$0x3FB4]  }
0x2c: {  	s7 =	sld [smem:$0x3FB5]  }
0x2d: {  	s3 =	simm.s32 $0x108;
	s8 =	sld [smem:$0x3FB6]  }
0x2e: {  	s3 =	simm.s32 @!p0 $0x1082;
	s9 =	sld [smem:$0x3FB7]  }
0x2f: {  	lr =	sadd.s32 s0, s3;
	s0 =	sld [smem:$0x3FAE]  }
0x30: {  	s3 =	sld [smem:$0x3FB1]  }
0x31: {  	[smem:$0x3FBA] =	sst s10  }
0x32: {  	s10 =	sld [smem:$0x3FB8];
	_ =	sdelay $0x3  }
0x33: {  	p0 =	seq.s32 s10, $0x1;
	s10 =	sld [smem:$0x3FBA];
	_ =	sdelay $0x3  }
0x34: {  	[smem:$0x3FBA] =	sst s10  }
0x35: {  	s10 =	sld [smem:$0x3FB9];
	_ =	sdelay $0x3  }
0x36: {  	p1 =	seq.s32 s10, $0x1;
	s10 =	sld [smem:$0x3FBA];
	_ =	sdelay $0x3  }
0x37: {  	[smem:$0x3FBA] =	sst s10  }
0x38: {  	s10 =	sld [smem:$0x3FBB]  }
0x39: {  	_ = 	snop;
	(pc) =	sbr.ind lr, $3  }
0x3a: {  	_ = 	snop  }
0x3b: {  	_ = 	snop  }
0x3c: {  	p2 =	seq.s32 s10, $0x1;
	s10 =	sld [smem:$0x3FBA]  }
0x3d: {  	_ =	shalt  }
0x3e: {  	_ =	shalt  }
0x3f: {  	_ =	shalt  }
0x40: {  	_ =	shalt  }
0x41: {  	_ =	shalt  }
0x42: {  	_ =	shalt  }
0x43: {  	_ =	shalt  }
0x44: {  	_ =	shalt  }
0x45: {  	_ =	shalt  }
0x46: {  	_ =	shalt  }
0x47: {  	_ =	shalt  }
0x48: {  	_ =	shalt  }
0x49: {  	_ =	shalt  }
0x4a: {  	_ =	shalt  }
0x4b: {  	_ =	shalt  }
0x4c: {  	_ =	shalt  }
0x4d: {  	_ =	shalt  }
0x4e: {  	_ =	shalt  }
0x4f: {  	_ =	shalt  }
0x50: {  	_ =	shalt  }
0x51: {  	_ =	shalt  }
0x52: {  	_ =	shalt  }
0x53: {  	_ =	shalt  }
0x54: {  	_ =	shalt  }
0x55: {  	_ =	shalt  }
0x56: {  	_ =	shalt  }
0x57: {  	_ =	shalt  }
0x58: {  	_ =	shalt  }
0x59: {  	_ =	shalt  }
0x5a: {  	_ =	shalt  }
0x5b: {  	_ =	shalt  }
0x5c: {  	_ =	shalt  }
0x5d: {  	_ =	shalt  }
0x5e: {  	_ =	shalt  }
0x5f: {  	_ =	shalt  }
0x60: {  	_ =	shalt  }
0x61: {  	_ =	shalt  }
0x62: {  	_ =	shalt  }
0x63: {  	_ =	shalt  }
0x64: {  	_ =	shalt  }
0x65: {  	_ =	shalt  }
0x66: {  	_ =	shalt  }
0x67: {  	_ =	shalt  }
0x68: {  	_ =	shalt  }
0x69: {  	_ =	shalt  }
0x6a: {  	_ =	shalt  }
0x6b: {  	_ =	shalt  }
0x6c: {  	_ =	shalt  }
0x6d: {  	_ =	shalt  }
0x6e: {  	_ =	shalt  }
0x6f: {  	_ =	shalt  }
0x70: {  	_ =	shalt  }
0x71: {  	_ =	shalt  }
0x72: {  	_ =	shalt  }
0x73: {  	_ =	shalt  }
0x74: {  	_ =	shalt  }
0x75: {  	_ =	shalt  }
0x76: {  	_ =	shalt  }
0x77: {  	_ =	shalt  }
0x78: {  	_ =	shalt  }
0x79: {  	_ =	shalt  }
0x7a: {  	_ =	shalt  }
0x7b: {  	_ =	shalt  }
0x7c: {  	_ =	shalt  }
0x7d: {  	_ =	shalt  }
0x7e: {  	_ =	shalt  }
0x7f: {  	_ =	shalt  }
0x80: {  	_ =	shalt  }
0x81: {  	_ =	shalt  }
0x82: {  	_ =	shalt  }
0x83: {  	_ =	shalt  }
0x84: {  	_ =	shalt  }
0x85: {  	_ =	shalt  }
0x86: {  	_ =	shalt  }
0x87: {  	_ =	shalt  }
.Lfunc_end0:
.L_simem_size_0:
called_computation_lowered:
.L_overlay_start_0:
0x88: {  	s2 =	sld [smem:$0x3FD9]  }
0x89: {  	s3 =	sld [smem:$0x3FFE];
	_ =	sdelay $0x1  }
0x8a: {  	s1 =	srdreg.scid  }
0x8b: {  	s0 =	sand.u32 $0x1, s1  }
0x8c: {  	s17 =	sshll.u32 s0, $0xA;
	s2 =	sadd.s32 s3, s2  }
0x8d: {  	s2 =	sadd.s32 s2, s17  }
0x8e: {  	[smem:$0x3FC6] =	sst s2  }
0x8f: {  	_ = 	snop  }
0x90: {  	s2 =	sld [smem:$0x3FD0];
	(tm) =	ssettm $0x1  }
0x91: {  	s18 =	sld [smem:$0x3FFB];
	_ =	sdelay $0x3  }
0x92: {  	_ =	strace s18  }
0x93: {  	s3 =	sld [smem:$0x3FFC];
	_ =	sdelay $0x3  }
0x94: {  	_ =	strace s3  }
0x95: {  	s3 =	sld [smem:$0x3FFD];
	_ =	sdelay $0x3  }
0x96: {  	_ =	strace s3  }
0x97: {  	_ =	strace $0x8FFFFFFF  }
0x98: {  	s19 =	sld [smem:$0x3FDB];
	_ =	sdelay $0x1  }
0x99: {  	s4 =	simm.s32 $_scs_section_size  }
0x9a: {  	s5 =	simm.s32 $_size__tile_overlayer_lowered;
	s6 =	simm.s32 $_tile_overlayer_lowered  }
0x9b: {  	s22 =	simm.s32 $0x1BFF;
	s21 =	sshll.u32 s6, $0x1;
	s3 =	sadd.s32 s4, s19  }
0x9c: {  	s7 =	simm.s32 $0x0;
	s20 =	sshll.u32 s5, $0x1;
	s5 =	sadd.s32 s21, s3  }
0x9d: {  	[timem:s7], [sflag:s22] =	dma.local [hbm:s5], s20  }
0x9e: {  	_ =	swait.ge [sflag:s22], s20  }
0x9f: {  	s4 =	ssub.s32 $0x0, s20;
	[sflag:s22] =	ssyncset.done $0x0  }
0xa0: {  	[sflag:s22] =	ssyncadd.s32 s4;
	_ =	sdelay $0x1  }
0xa1: {  	s23 =	simm.s32 $0x1B8B  }
0xa2: {  	_ =	swait.ge [sflag:s23], $0x1  }
0xa3: {  	[sflag:s23] =	ssyncset.done $0x0  }
0xa4: {  	s25 =	simm.s32 $0x1B8E;
	s24 =	sld [smem:$0x3FFE];
	[sflag:s23] =	ssyncadd.s32 $0xFFFFFFFF  }
0xa5: {  	s26 =	simm.s32 $execute0_lowered;
	[smem:$0x3FD2] =	sst s25  }
0xa6: {  	s5 =	sshll.u32 s26, $0x1;
	_ =	strace $0x80000046;
	[dreg:$0x1] =	wrdreg $0xFFFFFFFF  }
0xa7: {  	s28 =	simm.s32 $_size_execute0_lowered;
	s3 =	sadd.s32 s3, s5;
	[dreg:$0x0] =	wrdreg $0x0  }
0xa8: {  	s5 =	sshll.u32 s28, $0x1;
	[dreg:$0x2] =	wrdreg s3  }
0xa9: {  	[dreg:$0x3] =	wrdreg s5  }
0xaa: {  	[dreg:$0x4] =	wrdreg $0xC0  }
0xab: {  	_ =	task [dreg:s7], $0x5FFFF  }
0xac: {  	[dreg:$0x1] =	wrdreg $0xFFFFFFFF  }
0xad: {  	[dreg:$0x0] =	wrdreg $0x60  }
0xae: {  	[dreg:$0x2] =	wrdreg s24  }
0xaf: {  	[dreg:$0x3] =	wrdreg s2  }
0xb0: {  	[dreg:$0x4] =	wrdreg $0x9  }
0xb1: {  	_ =	task.clear_ibuf [dreg:s7], $0x5FFFF;
	_ =	strace $0x90000046  }
0xb2: {  	s29 =	simm.s32 $0x9;
	_ =	strace $0x80000048  }
0xb3: {  	_ =	swait.ge [sflag:s29], $0x1  }
0xb4: {  	[sflag:s29] =	ssyncadd.s32 $0xFFFFFFFF  }
0xb5: {  	_ =	strace $0x90000048  }
0xb6: {  	_ =	sfence  }
0xb7: {  	s30 =	sld [smem:$0x0];
	_ =	sdelay $0x2  }
0xb8: {  	s31 =	sshll.u32 s1, $0xD;
	s1 =	sshrl.u32 s1, $0x2  }
0xb9: {  	s3 =	sand.u32 $0x4000, s31;
	s1 =	sadd.s32 s1, s30  }
0xba: {  	s0 =	sor.u32 s3, s0;
	s1 =	sshll.u32 s1, $0x11  }
0xbb: {  	s0 =	sor.u32 s1, s0  }
0xbc: {  	s0 =	sadd.s32 $0x8F2B, s0  }
0xbd: {  	[sflag:s0] =	ssyncadd.remote.s32 $0x1  }
0xbe: {  	_ =	sfence.sel $0xFFFF  }
0xbf: {  	[dreg:$0x0] =	wrdreg $0xFFFFFFFF;
	(pc) =	sbr.abs _section_cstart, $3  }
0xc0: {  	[dreg:$0x1] =	wrdreg $0xFFFFFFFF  }
0xc1: {  	_ =	task.clear_ibuf [dreg:s7], $0x2FFFF;
	_ =	strace $0x9FFFFFFF  }
0xc2: {  	(tm) =	ssettm $0x7FFFFFFF  }
0xc3: {  	_ =	shalt  }
tec
execute0_lowered:
.L_overlay_start_1:
0x0: {  	(tag) =	ssettag $0x1  }
0x1: {  	s0 =	rddreg [dreg:$0x0]  }
0x2: {  	s1 =	srdreg.scid;
	s3 =	stileid.u32  }
0x3: {  	s2 =	rddreg [dreg:$0x1];
	s4 =	simm.s32 $0x0;
	s10 =	simm.s32 $0x9  }
0x4: {  	s11 =	simm.s32 $0x80;
	s12 =	simm.s32 $0x6400;
	s13 =	simm.s32 $0xA400  }
0x5: {  	s15 =	simm.s32 $0xE400;
	s17 =	simm.s32 $0x12400;
	s18 =	simm.s32 $0x1  }
0x6: {  	s19 =	simm.s32 $0x400;
	s20 =	simm.s32 $0x20000;
	s21 =	simm.s32 $0x16400  }
0x7: {  	s22 =	simm.s32 $0x2;
	s23 =	simm.s32 $0x17400;
	s28 =	simm.s32 $0x19400  }
0x8: {  	s29 =	simm.s32 $0x5;
	s30 =	simm.s32 $0x6;
	s31 =	simm.s32 $0x7  }
0x9: {  	s1 =	sand.u32 $0x1, s1;
	s3 =	sshll.u32 s3, $0x1;
	[smem:$0x7FF] =	sst s4  }
0xa: {  	v0 =	vlaneseq.u32;
	s4 =	sadd.s32 $0xF5BA00, s0;
	s3 =	sor.u32 s1, s3;
	s1 =	ssub.s32 $0x2, s1  }
0xb: {  	v0 =	vmul.u32 $0x80, v0;
	_ =	strace $0x80000047;
	s24 =	sshll.u32 s3, $0x6;
	s5 =	sshrl.u32 s1, $0x1  }
0xc: {  	s6 =	sadd.s32 s24, s0;
	s25 =	ssub.s32 s1, s5;
	s5 =	sshll.u32 s3, $0xC  }
0xd: {  	v1 =	vor.u32 $0x800, v0;
	s24 =	simm.s32 $0x3;
	s1 =	simm.s32 $0x8;
	s26 =	sadd.s32 $0xF42A00, s6  }
0xe: {  	v2 =	vor.u32 $0x1000, v0;
	v3 =	vor.u32 $0x1800, v0;
	v4 =	vor.u32 $0x2000, v0;
	s0 =	smax.u32 s25, $0x1;
	s25 =	simm.s32 $0x18400;
	[dreg:$0x3] =	wrdreg s26  }
0xf: {  	v5 =	vor.u32 $0x2800, v0;
	v6 =	vor.u32 $0x3000, v0;
	v7 =	vor.u32 $0x3800, v0;
	[dreg:$0x4] =	wrdreg s0;
	s26 =	simm.s32 $0x4;
	s0 =	simm.s32 $0x0  }
.LBB2_1:
0x10: {  	s3 =	simm.s32 $0x0  }
0x11: {  	s6 =	rddreg [dreg:$0x3];
	s7 =	simm.s32 $0x200;
	s8 =	simm.s32 $0x4000  }
0x12: {  	[tilespmem:s3], [sflag:$0x9] =	stream.strided.gather [hbm4b:s6+s7], $0x6400, s8, s7, $0x38;
	[tilespmem:$0x1A400] =	vst v63  }
0x13: {  	_ =	swait.ge [sflag:s10], $0x6400  }
0x14: {  	[sflag:s10] =	ssyncset.done $0x0  }
0x15: {  	[sflag:s10] =	ssyncadd.s32 $0xFFFF9C00  }
0x16: {  	[tilespmem:s12], [sflag:$0x1] =	stream.indirect.gather [hbm4b:s4+s11], $0x80, s3, s11, $0xb8;
	[tilespmem:$0x1A400] =	vst v63  }
0x17: {  	_ = 	snop  }
0x18: {  	[tilespmem:s13], [sflag:$0x2] =	stream.indirect.gather [hbm4b:s4+s11], $0x80, s11, s11, $0xb8;
	[tilespmem:$0x1A400] =	vst v63  }
0x19: {  	s14 =	simm.s32 $0x100  }
0x1a: {  	[tilespmem:s15], [sflag:$0x3] =	stream.indirect.gather [hbm4b:s4+s11], $0x80, s14, s11, $0xb8;
	[tilespmem:$0x1A400] =	vst v63  }
0x1b: {  	s16 =	simm.s32 $0x180;
	s14 =	simm.s32 $0x0  }
0x1c: {  	[tilespmem:s17], [sflag:$0x4] =	stream.indirect.gather [hbm4b:s4+s11], $0x80, s16, s11, $0xb8;
	[tilespmem:$0x1A400] =	vst v63  }
.LBB2_2:
0x1d: {  	s3 =	simm.s32 $0x0  }
0x1e: {  	v8 =	vmov s3  }
0x1f: {  	v8 =	vand.u32 $0x1F, v8  }
0x20: {  	v9 =	vbroadcast v8, $0x0  }
0x21: {  	_ =	swait.ge [sflag:s18], $0x4000  }
0x22: {  	p0 =	seq.s32 s14, $0x0;
	[sflag:s18] =	ssyncset.done $0x0;
	v8 =	vor.u32 v0, v9  }
0x23: {  	s3 =	simm.s32 @!p0 $0x5;
	[sflag:s18] =	ssyncadd.s32 $0xFFFFC000;
	v10 =	vor.u32 v7, v9  }
0x24: {  	_ =	swait.ge @!p0 [sflag:s3], $0x1000;
	v11 =	vor.u32 v1, v9  }
0x25: {  	[sflag:s3] =	ssyncset.done @!p0 $0x0;
	v12 =	vor.u32 v2, v9  }
0x26: {  	[sflag:s3] =	ssyncadd.s32 @!p0 $0xFFFFF000;
	v15 =	vor.u32 v3, v9  }
0x27: {  	v16 =	vor.u32 v4, v9;
	v8 =	vld.idx.msk [tilespmem:v8+s12+$0x0], $0xffff  }
0x28: {  	v17 =	vor.u32 v5, v9;
	v18 =	vld.idx.msk [tilespmem:v10+s12+$0x0], $0xffff  }
0x29: {  	v19 =	vor.u32 v6, v9;
	v13 =	vld.idx.msk [tilespmem:v11+s12+$0x0], $0xffff  }
0x2a: {  	v14 =	vld.idx.msk [tilespmem:v12+s12+$0x0], $0xffff  }
0x2b: {  	v11 =	vld.idx.msk [tilespmem:v15+s12+$0x0], $0xffff  }
0x2c: {  	s16 =	simm.s32 $0x1;
	v9 =	vld.idx.msk [tilespmem:v16+s12+$0x0], $0xffff  }
0x2d: {  	s8 =	simm.s32 $0x16440;
	v10 =	vld.idx.msk [tilespmem:v17+s12+$0x0], $0xffff;
	v15 =	vmov s16  }
0x2e: {  	s9 =	simm.s32 $0x2;
	v12 =	vld.idx.msk [tilespmem:v19+s12+$0x0], $0xffff;
	v15 =	vand.u32 $0x1F, v15;
	[tilespmem:s8+$0x30] =	vst v18  }
.LBB2_3:
0x2f: {  	p1 =	sne.s32 s9, $0x1F;
	v15 =	vbroadcast v15, $0x0;
	[tilespmem:s8+$0xFFFFFFC0] =	vst v8  }
0x30: {  	[tilespmem:s8+$0xFFFFFFD0] =	vst v13  }
0x31: {  	v8 =	vor.u32 v0, v15;
	[tilespmem:s8+$0xFFFFFFE0] =	vst v14  }
0x32: {  	v13 =	vor.u32 v7, v15;
	[tilespmem:s8+$0xFFFFFFF0] =	vst v11  }
0x33: {  	v11 =	vor.u32 v1, v15;
	[tilespmem:s8+$0x0] =	vst v9  }
0x34: {  	v9 =	vor.u32 v2, v15;
	[tilespmem:s8+$0x10] =	vst v10  }
0x35: {  	v10 =	vor.u32 v3, v15;
	[tilespmem:s8+$0x20] =	vst v12  }
0x36: {  	v12 =	vor.u32 v4, v15;
	v8 =	vld.idx.msk [tilespmem:v8+s12+$0x0], $0xffff  }
0x37: {  	v16 =	vor.u32 v5, v15;
	v17 =	vld.idx.msk [tilespmem:v13+s12+$0x0], $0xffff  }
0x38: {  	v18 =	vor.u32 v6, v15;
	v13 =	vld.idx.msk [tilespmem:v11+s12+$0x0], $0xffff  }
.Ltmp0:
0x39: {  	v14 =	vld.idx.msk [tilespmem:v9+s12+$0x0], $0xffff;
	(pc) =	sbr.rel @p1 .LBB2_3-.Ltmp0, $4  }
0x3a: {  	v11 =	vld.idx.msk [tilespmem:v10+s12+$0x0], $0xffff  }
0x3b: {  	v9 =	vld.idx.msk [tilespmem:v12+s12+$0x0], $0xffff  }
0x3c: {  	s8 =	sadd.s32 $0x80, s8;
	v12 =	vmov s9;
	v10 =	vld.idx.msk [tilespmem:v16+s12+$0x0], $0xffff  }
0x3d: {  	s9 =	sadd.s32 $0x1, s9;
	v15 =	vand.u32 $0x1F, v12;
	v12 =	vld.idx.msk [tilespmem:v18+s12+$0x0], $0xffff;
	[tilespmem:s8+$0x30] =	vst v17  }
0x3e: {  	v15 =	vbroadcast v15, $0x0;
	[tilespmem:s8+$0xFFFFFFC0] =	vst v8  }
0x3f: {  	[tilespmem:s8+$0xFFFFFFD0] =	vst v13  }
0x40: {  	[tilespmem:s8+$0xFFFFFFE0] =	vst v14;
	v8 =	vor.u32 v0, v15  }
0x41: {  	[tilespmem:s8+$0xFFFFFFF0] =	vst v11;
	v13 =	vor.u32 v7, v15  }
0x42: {  	v11 =	vor.u32 v1, v15;
	[tilespmem:s8+$0x0] =	vst v9  }
0x43: {  	v9 =	vor.u32 v2, v15;
	[tilespmem:s8+$0x10] =	vst v10  }
0x44: {  	v14 =	vor.u32 v5, v15;
	[tilespmem:s8+$0x20] =	vst v12  }
0x45: {  	v10 =	vor.u32 v3, v15;
	v8 =	vld.idx.msk [tilespmem:v8+s12+$0x0], $0xffff  }
0x46: {  	v12 =	vor.u32 v4, v15;
	v13 =	vld.idx.msk [tilespmem:v13+s12+$0x0], $0xffff  }
0x47: {  	v15 =	vor.u32 v6, v15;
	v11 =	vld.idx.msk [tilespmem:v11+s12+$0x0], $0xffff  }
0x48: {  	v9 =	vld.idx.msk [tilespmem:v9+s12+$0x0], $0xffff  }
0x49: {  	v14 =	vld.idx.msk [tilespmem:v14+s12+$0x0], $0xffff  }
0x4a: {  	v10 =	vld.idx.msk [tilespmem:v10+s12+$0x0], $0xffff  }
0x4b: {  	s3 =	sadd.s32 $0x80, s8;
	v12 =	vld.idx.msk [tilespmem:v12+s12+$0x0], $0xffff  }
0x4c: {  	v15 =	vld.idx.msk [tilespmem:v15+s12+$0x0], $0xffff;
	[tilespmem:s3+$0x30] =	vst v13  }
0x4d: {  	[tilespmem:s3+$0xFFFFFFC0] =	vst v8  }
0x4e: {  	[tilespmem:s3+$0xFFFFFFD0] =	vst v11  }
0x4f: {  	[tilespmem:s3+$0xFFFFFFE0] =	vst v9  }
0x50: {  	[tilespmem:s3+$0x10] =	vst v14  }
0x51: {  	p1 =	seq.s32 s14, $0x31;
	s8 =	sadd.s32 $0x1, s14;
	[tilespmem:s3+$0xFFFFFFF0] =	vst v10  }
0x52: {  	s9 =	sshll.u32 @!p1 s8, $0x9;
	[tilespmem:s3+$0x0] =	vst v12  }
0x53: {  	s16 =	simm.s32 @!p1 $0x6400;
	s9 =	sand.u32 @!p1 $0x3FFFFE00, s9;
	[tilespmem:s3+$0x20] =	vst v15;
	s3 =	simm.s32 @!p1 $0x80  }
0x54: {  	[tilespmem:s16], [sflag:$0x1] =	stream.indirect.gather @!p1 [hbm4b:s4+s3], $0x80, s9, s3, $0xb8;
	[tilespmem:$0x1A400] =	vst v63  }
0x55: {  	s16 =	sshll.u32 s14, $0x13  }
0x56: {  	s6 =	simm.s32 $0x0;
	s3 =	sor.u32 s5, s16  }
0x57: {  	v8 =	vmov s6;
	s14 =	sshrl.u32 s3, $0x3  }
0x58: {  	v8 =	vand.u32 $0x1F, v8;
	s3 =	sadd.s32 s2, s14  }
0x59: {  	v9 =	vbroadcast v8, $0x0;
	[hbm4b:s3+s19] =	stream.strided.scatter [tilespmem:s21], [sflag:$0x5], $0x1000, s20, s19, $0x38;
	[tilespmem:$0x1A400] =	vst v63  }
0x5a: {  	_ =	swait.ge [sflag:s22], $0x4000  }
0x5b: {  	v8 =	vor.u32 v0, v9;
	[sflag:s22] =	ssyncset.done $0x0  }
0x5c: {  	v10 =	vor.u32 v7, v9;
	s3 =	simm.s32 @!p0 $0x6;
	[sflag:s22] =	ssyncadd.s32 $0xFFFFC000  }
0x5d: {  	v11 =	vor.u32 v1, v9;
	_ =	swait.ge @!p0 [sflag:s3], $0x1000  }
0x5e: {  	v12 =	vor.u32 v2, v9;
	[sflag:s3] =	ssyncset.done @!p0 $0x0  }
0x5f: {  	v15 =	vor.u32 v3, v9;
	[sflag:s3] =	ssyncadd.s32 @!p0 $0xFFFFF000  }
0x60: {  	v16 =	vor.u32 v4, v9;
	v8 =	vld.idx.msk [tilespmem:v8+s13+$0x0], $0xffff  }
0x61: {  	v17 =	vor.u32 v5, v9;
	v18 =	vld.idx.msk [tilespmem:v10+s13+$0x0], $0xffff  }
0x62: {  	v19 =	vor.u32 v6, v9;
	v13 =	vld.idx.msk [tilespmem:v11+s13+$0x0], $0xffff  }
0x63: {  	v14 =	vld.idx.msk [tilespmem:v12+s13+$0x0], $0xffff  }
0x64: {  	v11 =	vld.idx.msk [tilespmem:v15+s13+$0x0], $0xffff  }
0x65: {  	s7 =	simm.s32 $0x1;
	v9 =	vld.idx.msk [tilespmem:v16+s13+$0x0], $0xffff  }
0x66: {  	s16 =	simm.s32 $0x17470;
	v10 =	vld.idx.msk [tilespmem:v17+s13+$0x0], $0xffff;
	v15 =	vmov s7  }
0x67: {  	s3 =	simm.s32 $0x2;
	v12 =	vld.idx.msk [tilespmem:v19+s13+$0x0], $0xffff;
	v15 =	vand.u32 $0x1F, v15;
	[tilespmem:s16+$0x0] =	vst v18  }
.LBB2_5:
0x68: {  	p2 =	sne.s32 s3, $0x1F;
	v15 =	vbroadcast v15, $0x0;
	[tilespmem:s16+$0xFFFFFF90] =	vst v8  }
0x69: {  	[tilespmem:s16+$0xFFFFFFA0] =	vst v13  }
0x6a: {  	v8 =	vor.u32 v0, v15;
	[tilespmem:s16+$0xFFFFFFB0] =	vst v14  }
0x6b: {  	v13 =	vor.u32 v7, v15;
	[tilespmem:s16+$0xFFFFFFC0] =	vst v11  }
0x6c: {  	v11 =	vor.u32 v1, v15;
	[tilespmem:s16+$0xFFFFFFD0] =	vst v9  }
0x6d: {  	v9 =	vor.u32 v2, v15;
	[tilespmem:s16+$0xFFFFFFE0] =	vst v10  }
0x6e: {  	v10 =	vor.u32 v3, v15;
	[tilespmem:s16+$0xFFFFFFF0] =	vst v12  }
0x6f: {  	v12 =	vor.u32 v4, v15;
	v8 =	vld.idx.msk [tilespmem:v8+s13+$0x0], $0xffff  }
0x70: {  	v16 =	vor.u32 v5, v15;
	v17 =	vld.idx.msk [tilespmem:v13+s13+$0x0], $0xffff  }
0x71: {  	v18 =	vor.u32 v6, v15;
	v13 =	vld.idx.msk [tilespmem:v11+s13+$0x0], $0xffff  }
.Ltmp1:
0x72: {  	v14 =	vld.idx.msk [tilespmem:v9+s13+$0x0], $0xffff;
	(pc) =	sbr.rel @p2 .LBB2_5-.Ltmp1, $4  }
0x73: {  	v11 =	vld.idx.msk [tilespmem:v10+s13+$0x0], $0xffff  }
0x74: {  	v9 =	vld.idx.msk [tilespmem:v12+s13+$0x0], $0xffff  }
0x75: {  	s16 =	sadd.s32 $0x80, s16;
	v12 =	vmov s3;
	v10 =	vld.idx.msk [tilespmem:v16+s13+$0x0], $0xffff  }
0x76: {  	s3 =	sadd.s32 $0x1, s3;
	v15 =	vand.u32 $0x1F, v12;
	v12 =	vld.idx.msk [tilespmem:v18+s13+$0x0], $0xffff;
	[tilespmem:s16+$0x0] =	vst v17  }
0x77: {  	v15 =	vbroadcast v15, $0x0;
	[tilespmem:s16+$0xFFFFFF90] =	vst v8  }
0x78: {  	[tilespmem:s16+$0xFFFFFFA0] =	vst v13  }
0x79: {  	[tilespmem:s16+$0xFFFFFFB0] =	vst v14;
	v8 =	vor.u32 v0, v15  }
0x7a: {  	[tilespmem:s16+$0xFFFFFFC0] =	vst v11;
	v13 =	vor.u32 v7, v15  }
0x7b: {  	v11 =	vor.u32 v1, v15;
	[tilespmem:s16+$0xFFFFFFD0] =	vst v9  }
0x7c: {  	v9 =	vor.u32 v2, v15;
	[tilespmem:s16+$0xFFFFFFE0] =	vst v10  }
0x7d: {  	v14 =	vor.u32 v5, v15;
	[tilespmem:s16+$0xFFFFFFF0] =	vst v12  }
0x7e: {  	v10 =	vor.u32 v3, v15;
	v8 =	vld.idx.msk [tilespmem:v8+s13+$0x0], $0xffff  }
0x7f: {  	v12 =	vor.u32 v4, v15;
	v13 =	vld.idx.msk [tilespmem:v13+s13+$0x0], $0xffff  }
0x80: {  	v15 =	vor.u32 v6, v15;
	v11 =	vld.idx.msk [tilespmem:v11+s13+$0x0], $0xffff  }
0x81: {  	v9 =	vld.idx.msk [tilespmem:v9+s13+$0x0], $0xffff  }
0x82: {  	v14 =	vld.idx.msk [tilespmem:v14+s13+$0x0], $0xffff  }
0x83: {  	v10 =	vld.idx.msk [tilespmem:v10+s13+$0x0], $0xffff  }
0x84: {  	s3 =	sadd.s32 $0x80, s16;
	v12 =	vld.idx.msk [tilespmem:v12+s13+$0x0], $0xffff  }
0x85: {  	v15 =	vld.idx.msk [tilespmem:v15+s13+$0x0], $0xffff;
	[tilespmem:s3+$0x0] =	vst v13  }
0x86: {  	[tilespmem:s3+$0xFFFFFF90] =	vst v8  }
0x87: {  	[tilespmem:s3+$0xFFFFFFA0] =	vst v11  }
0x88: {  	[tilespmem:s3+$0xFFFFFFB0] =	vst v9  }
0x89: {  	[tilespmem:s3+$0xFFFFFFE0] =	vst v14  }
0x8a: {  	[tilespmem:s3+$0xFFFFFFC0] =	vst v10  }
0x8b: {  	[tilespmem:s3+$0xFFFFFFD0] =	vst v12  }
0x8c: {  	s6 =	simm.s32 @!p1 $0xA400;
	s16 =	simm.s32 @!p1 $0x80;
	[tilespmem:s3+$0xFFFFFFF0] =	vst v15;
	s3 =	sor.u32 @!p1 $0x80, s9  }
0x8d: {  	[tilespmem:s6], [sflag:$0x2] =	stream.indirect.gather @!p1 [hbm4b:s4+s16], $0x80, s3, s16, $0xb8;
	[tilespmem:$0x1A400] =	vst v63  }
0x8e: {  	s16 =	simm.s32 $0x0  }
0x8f: {  	s14 =	sadd.s32 s14, s2;
	v8 =	vmov s16  }
0x90: {  	s6 =	sadd.s32 $0x80, s14;
	v8 =	vand.u32 $0x1F, v8  }
0x91: {  	[hbm4b:s6+s19] =	stream.strided.scatter [tilespmem:s23], [sflag:$0x6], $0x1000, s20, s19, $0x38;
	v9 =	vbroadcast v8, $0x0;
	[tilespmem:$0x1A400] =	vst v63  }
0x92: {  	_ =	swait.ge [sflag:s24], $0x4000  }
0x93: {  	[sflag:s24] =	ssyncset.done $0x0;
	v8 =	vor.u32 v0, v9  }
0x94: {  	s3 =	simm.s32 @!p0 $0x7;
	[sflag:s24] =	ssyncadd.s32 $0xFFFFC000;
	v10 =	vor.u32 v7, v9  }
0x95: {  	v11 =	vor.u32 v1, v9;
	_ =	swait.ge @!p0 [sflag:s3], $0x1000  }
0x96: {  	v12 =	vor.u32 v2, v9;
	[sflag:s3] =	ssyncset.done @!p0 $0x0  }
0x97: {  	v15 =	vor.u32 v3, v9;
	[sflag:s3] =	ssyncadd.s32 @!p0 $0xFFFFF000  }
0x98: {  	v16 =	vor.u32 v4, v9;
	v8 =	vld.idx.msk [tilespmem:v8+s15+$0x0], $0xffff  }
0x99: {  	v17 =	vor.u32 v5, v9;
	v18 =	vld.idx.msk [tilespmem:v10+s15+$0x0], $0xffff  }
0x9a: {  	v19 =	vor.u32 v6, v9;
	v13 =	vld.idx.msk [tilespmem:v11+s15+$0x0], $0xffff  }
0x9b: {  	v14 =	vld.idx.msk [tilespmem:v12+s15+$0x0], $0xffff  }
0x9c: {  	v11 =	vld.idx.msk [tilespmem:v15+s15+$0x0], $0xffff  }
0x9d: {  	s7 =	simm.s32 $0x1;
	v9 =	vld.idx.msk [tilespmem:v16+s15+$0x0], $0xffff  }
0x9e: {  	s16 =	simm.s32 $0x18470;
	v10 =	vld.idx.msk [tilespmem:v17+s15+$0x0], $0xffff;
	v15 =	vmov s7  }
0x9f: {  	s3 =	simm.s32 $0x2;
	v12 =	vld.idx.msk [tilespmem:v19+s15+$0x0], $0xffff;
	v15 =	vand.u32 $0x1F, v15;
	[tilespmem:s16+$0x0] =	vst v18  }
.LBB2_7:
0xa0: {  	p2 =	sne.s32 s3, $0x1F;
	v15 =	vbroadcast v15, $0x0;
	[tilespmem:s16+$0xFFFFFF90] =	vst v8  }
0xa1: {  	[tilespmem:s16+$0xFFFFFFA0] =	vst v13  }
0xa2: {  	v8 =	vor.u32 v0, v15;
	[tilespmem:s16+$0xFFFFFFB0] =	vst v14  }
0xa3: {  	v13 =	vor.u32 v7, v15;
	[tilespmem:s16+$0xFFFFFFC0] =	vst v11  }
0xa4: {  	v11 =	vor.u32 v1, v15;
	[tilespmem:s16+$0xFFFFFFD0] =	vst v9  }
0xa5: {  	v9 =	vor.u32 v2, v15;
	[tilespmem:s16+$0xFFFFFFE0] =	vst v10  }
0xa6: {  	v10 =	vor.u32 v3, v15;
	[tilespmem:s16+$0xFFFFFFF0] =	vst v12  }
0xa7: {  	v12 =	vor.u32 v4, v15;
	v8 =	vld.idx.msk [tilespmem:v8+s15+$0x0], $0xffff  }
0xa8: {  	v16 =	vor.u32 v5, v15;
	v17 =	vld.idx.msk [tilespmem:v13+s15+$0x0], $0xffff  }
0xa9: {  	v18 =	vor.u32 v6, v15;
	v13 =	vld.idx.msk [tilespmem:v11+s15+$0x0], $0xffff  }
.Ltmp2:
0xaa: {  	v14 =	vld.idx.msk [tilespmem:v9+s15+$0x0], $0xffff;
	(pc) =	sbr.rel @p2 .LBB2_7-.Ltmp2, $4  }
0xab: {  	v11 =	vld.idx.msk [tilespmem:v10+s15+$0x0], $0xffff  }
0xac: {  	v9 =	vld.idx.msk [tilespmem:v12+s15+$0x0], $0xffff  }
0xad: {  	s16 =	sadd.s32 $0x80, s16;
	v12 =	vmov s3;
	v10 =	vld.idx.msk [tilespmem:v16+s15+$0x0], $0xffff  }
0xae: {  	s3 =	sadd.s32 $0x1, s3;
	v15 =	vand.u32 $0x1F, v12;
	v12 =	vld.idx.msk [tilespmem:v18+s15+$0x0], $0xffff;
	[tilespmem:s16+$0x0] =	vst v17  }
0xaf: {  	v15 =	vbroadcast v15, $0x0;
	[tilespmem:s16+$0xFFFFFF90] =	vst v8  }
0xb0: {  	[tilespmem:s16+$0xFFFFFFA0] =	vst v13  }
0xb1: {  	[tilespmem:s16+$0xFFFFFFB0] =	vst v14;
	v8 =	vor.u32 v0, v15  }
0xb2: {  	[tilespmem:s16+$0xFFFFFFC0] =	vst v11;
	v13 =	vor.u32 v7, v15  }
0xb3: {  	v11 =	vor.u32 v1, v15;
	[tilespmem:s16+$0xFFFFFFD0] =	vst v9  }
0xb4: {  	v9 =	vor.u32 v2, v15;
	[tilespmem:s16+$0xFFFFFFE0] =	vst v10  }
0xb5: {  	v14 =	vor.u32 v5, v15;
	[tilespmem:s16+$0xFFFFFFF0] =	vst v12  }
0xb6: {  	v10 =	vor.u32 v3, v15;
	v8 =	vld.idx.msk [tilespmem:v8+s15+$0x0], $0xffff  }
0xb7: {  	v12 =	vor.u32 v4, v15;
	v13 =	vld.idx.msk [tilespmem:v13+s15+$0x0], $0xffff  }
0xb8: {  	v15 =	vor.u32 v6, v15;
	v11 =	vld.idx.msk [tilespmem:v11+s15+$0x0], $0xffff  }
0xb9: {  	v9 =	vld.idx.msk [tilespmem:v9+s15+$0x0], $0xffff  }
0xba: {  	v14 =	vld.idx.msk [tilespmem:v14+s15+$0x0], $0xffff  }
0xbb: {  	v10 =	vld.idx.msk [tilespmem:v10+s15+$0x0], $0xffff  }
0xbc: {  	s3 =	sadd.s32 $0x80, s16;
	v12 =	vld.idx.msk [tilespmem:v12+s15+$0x0], $0xffff  }
0xbd: {  	v15 =	vld.idx.msk [tilespmem:v15+s15+$0x0], $0xffff;
	[tilespmem:s3+$0x0] =	vst v13  }
0xbe: {  	[tilespmem:s3+$0xFFFFFF90] =	vst v8  }
0xbf: {  	[tilespmem:s3+$0xFFFFFFA0] =	vst v11  }
0xc0: {  	[tilespmem:s3+$0xFFFFFFB0] =	vst v9  }
0xc1: {  	[tilespmem:s3+$0xFFFFFFE0] =	vst v14  }
0xc2: {  	[tilespmem:s3+$0xFFFFFFC0] =	vst v10  }
0xc3: {  	s6 =	sor.u32 @!p1 $0x100, s9;
	[tilespmem:s3+$0xFFFFFFD0] =	vst v12  }
0xc4: {  	s7 =	simm.s32 $0x0;
	s16 =	simm.s32 @!p1 $0xE400;
	[tilespmem:s3+$0xFFFFFFF0] =	vst v15;
	s3 =	simm.s32 @!p1 $0x80  }
0xc5: {  	v8 =	vmov s7;
	[tilespmem:s16], [sflag:$0x3] =	stream.indirect.gather @!p1 [hbm4b:s4+s3], $0x80, s6, s3, $0xb8;
	[tilespmem:$0x1A400] =	vst v63  }
0xc6: {  	v8 =	vand.u32 $0x1F, v8;
	s6 =	sadd.s32 $0x100, s14  }
0xc7: {  	v9 =	vbroadcast v8, $0x0;
	[hbm4b:s6+s19] =	stream.strided.scatter [tilespmem:s25], [sflag:$0x7], $0x1000, s20, s19, $0x38;
	[tilespmem:$0x1A400] =	vst v63  }
0xc8: {  	_ =	swait.ge [sflag:s26], $0x4000  }
0xc9: {  	v8 =	vor.u32 v0, v9;
	[sflag:s26] =	ssyncset.done $0x0  }
0xca: {  	s3 =	simm.s32 @!p0 $0x8;
	v10 =	vor.u32 v7, v9;
	[sflag:s26] =	ssyncadd.s32 $0xFFFFC000  }
0xcb: {  	v11 =	vor.u32 v1, v9;
	_ =	swait.ge @!p0 [sflag:s3], $0x1000  }
0xcc: {  	v12 =	vor.u32 v2, v9;
	[sflag:s3] =	ssyncset.done @!p0 $0x0  }
0xcd: {  	v15 =	vor.u32 v3, v9;
	[sflag:s3] =	ssyncadd.s32 @!p0 $0xFFFFF000  }
0xce: {  	v16 =	vor.u32 v4, v9;
	v8 =	vld.idx.msk [tilespmem:v8+s17+$0x0], $0xffff  }
0xcf: {  	v17 =	vor.u32 v5, v9;
	v18 =	vld.idx.msk [tilespmem:v10+s17+$0x0], $0xffff  }
0xd0: {  	v19 =	vor.u32 v6, v9;
	v13 =	vld.idx.msk [tilespmem:v11+s17+$0x0], $0xffff  }
0xd1: {  	v14 =	vld.idx.msk [tilespmem:v12+s17+$0x0], $0xffff  }
0xd2: {  	v11 =	vld.idx.msk [tilespmem:v15+s17+$0x0], $0xffff  }
0xd3: {  	s7 =	simm.s32 $0x1;
	v9 =	vld.idx.msk [tilespmem:v16+s17+$0x0], $0xffff  }
0xd4: {  	s16 =	simm.s32 $0x19470;
	v10 =	vld.idx.msk [tilespmem:v17+s17+$0x0], $0xffff;
	v15 =	vmov s7  }
0xd5: {  	s3 =	simm.s32 $0x2;
	v12 =	vld.idx.msk [tilespmem:v19+s17+$0x0], $0xffff;
	v15 =	vand.u32 $0x1F, v15;
	[tilespmem:s16+$0x0] =	vst v18  }
.LBB2_9:
0xd6: {  	p0 =	sne.s32 s3, $0x1F;
	v15 =	vbroadcast v15, $0x0;
	[tilespmem:s16+$0xFFFFFF90] =	vst v8  }
0xd7: {  	[tilespmem:s16+$0xFFFFFFA0] =	vst v13  }
0xd8: {  	v8 =	vor.u32 v0, v15;
	[tilespmem:s16+$0xFFFFFFB0] =	vst v14  }
0xd9: {  	v13 =	vor.u32 v7, v15;
	[tilespmem:s16+$0xFFFFFFC0] =	vst v11  }
0xda: {  	v11 =	vor.u32 v1, v15;
	[tilespmem:s16+$0xFFFFFFD0] =	vst v9  }
0xdb: {  	v9 =	vor.u32 v2, v15;
	[tilespmem:s16+$0xFFFFFFE0] =	vst v10  }
0xdc: {  	v10 =	vor.u32 v3, v15;
	[tilespmem:s16+$0xFFFFFFF0] =	vst v12  }
0xdd: {  	v12 =	vor.u32 v4, v15;
	v8 =	vld.idx.msk [tilespmem:v8+s17+$0x0], $0xffff  }
0xde: {  	v16 =	vor.u32 v5, v15;
	v17 =	vld.idx.msk [tilespmem:v13+s17+$0x0], $0xffff  }
0xdf: {  	v18 =	vor.u32 v6, v15;
	v13 =	vld.idx.msk [tilespmem:v11+s17+$0x0], $0xffff  }
.Ltmp3:
0xe0: {  	v14 =	vld.idx.msk [tilespmem:v9+s17+$0x0], $0xffff;
	(pc) =	sbr.rel @p0 .LBB2_9-.Ltmp3, $4  }
0xe1: {  	v11 =	vld.idx.msk [tilespmem:v10+s17+$0x0], $0xffff  }
0xe2: {  	v9 =	vld.idx.msk [tilespmem:v12+s17+$0x0], $0xffff  }
0xe3: {  	s16 =	sadd.s32 $0x80, s16;
	v12 =	vmov s3;
	v10 =	vld.idx.msk [tilespmem:v16+s17+$0x0], $0xffff  }
0xe4: {  	s3 =	sadd.s32 $0x1, s3;
	v15 =	vand.u32 $0x1F, v12;
	v12 =	vld.idx.msk [tilespmem:v18+s17+$0x0], $0xffff;
	[tilespmem:s16+$0x0] =	vst v17  }
0xe5: {  	v15 =	vbroadcast v15, $0x0;
	[tilespmem:s16+$0xFFFFFF90] =	vst v8  }
0xe6: {  	[tilespmem:s16+$0xFFFFFFA0] =	vst v13  }
0xe7: {  	[tilespmem:s16+$0xFFFFFFB0] =	vst v14;
	v8 =	vor.u32 v0, v15  }
0xe8: {  	[tilespmem:s16+$0xFFFFFFC0] =	vst v11;
	v58 =	vor.u32 v7, v15  }
0xe9: {  	v59 =	vor.u32 v1, v15;
	[tilespmem:s16+$0xFFFFFFD0] =	vst v9  }
0xea: {  	v60 =	vor.u32 v2, v15;
	[tilespmem:s16+$0xFFFFFFE0] =	vst v10  }
0xeb: {  	v61 =	vor.u32 v3, v15;
	[tilespmem:s16+$0xFFFFFFF0] =	vst v12  }
0xec: {  	v62 =	vor.u32 v4, v15;
	v8 =	vld.idx.msk [tilespmem:v8+s17+$0x0], $0xffff  }
0xed: {  	v63 =	vor.u32 v5, v15;
	v13 =	vld.idx.msk [tilespmem:v58+s17+$0x0], $0xffff  }
0xee: {  	v15 =	vor.u32 v6, v15;
	v11 =	vld.idx.msk [tilespmem:v59+s17+$0x0], $0xffff  }
0xef: {  	v9 =	vld.idx.msk [tilespmem:v60+s17+$0x0], $0xffff  }
0xf0: {  	v10 =	vld.idx.msk [tilespmem:v61+s17+$0x0], $0xffff  }
0xf1: {  	v12 =	vld.idx.msk [tilespmem:v62+s17+$0x0], $0xffff  }
0xf2: {  	s3 =	sadd.s32 $0x80, s16;
	v14 =	vld.idx.msk [tilespmem:v63+s17+$0x0], $0xffff  }
0xf3: {  	v15 =	vld.idx.msk [tilespmem:v15+s17+$0x0], $0xffff;
	[tilespmem:s3+$0x0] =	vst v13  }
0xf4: {  	[tilespmem:s3+$0xFFFFFF90] =	vst v8  }
0xf5: {  	[tilespmem:s3+$0xFFFFFFA0] =	vst v11  }
0xf6: {  	[tilespmem:s3+$0xFFFFFFB0] =	vst v9  }
0xf7: {  	[tilespmem:s3+$0xFFFFFFC0] =	vst v10  }
0xf8: {  	p0 =	sne.s32 s8, $0x32;
	[tilespmem:s3+$0xFFFFFFD0] =	vst v12  }
.Ltmp4:
0xf9: {  	[tilespmem:s3+$0xFFFFFFE0] =	vst v14;
	(pc) =	sbr.rel @p0 .LBB2_2-.Ltmp4, $4  }
0xfa: {  	s6 =	simm.s32 @!p1 $0x80;
	s7 =	simm.s32 @!p1 $0x12400;
	[tilespmem:s3+$0xFFFFFFF0] =	vst v15;
	s3 =	sor.u32 @!p1 $0x180, s9  }
0xfb: {  	[tilespmem:s7], [sflag:$0x4] =	stream.indirect.gather @!p1 [hbm4b:s4+s6], $0x80, s3, s6, $0xb8;
	[tilespmem:$0x1A400] =	vst v63  }
0xfc: {  	s16 =	sadd.s32 $0x180, s14;
	s14 =	smov.u32 s8  }
0xfd: {  	[hbm4b:s16+s19] =	stream.strided.scatter [tilespmem:s28], [sflag:$0x8], $0x1000, s20, s19, $0x38;
	[tilespmem:$0x1A400] =	vst v63  }
0xfe: {  	_ =	swait.ge [sflag:s29], $0x1000  }
0xff: {  	[sflag:s29] =	ssyncset.done $0x0  }
0x100: {  	[sflag:s29] =	ssyncadd.s32 $0xFFFFF000  }
0x101: {  	_ =	swait.ge [sflag:s30], $0x1000  }
0x102: {  	[sflag:s30] =	ssyncset.done $0x0  }
0x103: {  	[sflag:s30] =	ssyncadd.s32 $0xFFFFF000  }
0x104: {  	_ =	swait.ge [sflag:s31], $0x1000  }
0x105: {  	[sflag:s31] =	ssyncset.done $0x0  }
0x106: {  	[sflag:s31] =	ssyncadd.s32 $0xFFFFF000  }
0x107: {  	_ =	swait.ge [sflag:s1], $0x1000  }
0x108: {  	s0 =	sadd.s32 $0x1, s0;
	s3 =	rddreg [dreg:$0x4]  }
0x109: {  	p0 =	sne.s32 s0, s3  }
.Ltmp5:
0x10a: {  	_ = 	snop;
	(pc) =	sbr.rel @p0 .LBB2_1-.Ltmp5, $3  }
0x10b: {  	_ =	sdelay $0x1  }
0x10c: {  	[sflag:s1] =	ssyncset.done $0x0  }
0x10d: {  	[sflag:s1] =	ssyncadd.s32 $0xFFFFF000  }
0x10e: {  	_ =	sfence.sel $0x180000  }
0x10f: {  	[bflag:$0x0] =	sbarrier.arrive $0xFFFF  }
0x110: {  	_ =	strace $0x90000047  }
0x111: {  	s0 =	stileid.u32;
	[bflag:$0x2] =	sbarrier.arrive $0xFFFF  }
0x112: {  	p0 =	sne.s32 s0, $0x0;
	s0 =	rddreg [dreg:$0x2]  }
0x113: {  	s0 =	sadd.s32 @!p0 $0x100000, s0  }
0x114: {  	[sflag:s0] =	ssyncadd.tile.s32 @!p0 $0x1;
	_ =	shalt  }
.Lfunc_end2:
_tile_overlayer_lowered:
.L_overlay_start_2:
0x115: {  	(tag) =	ssettag $0x2  }
0x116: {  	s0 =	rddreg [dreg:$0x0];
	s2 =	stileid.u32  }
0x117: {  	s1 =	rddreg [dreg:$0x1];
	p0 =	sne.s32 s2, $0x0  }
0x118: {  	s3 =	rddreg [dreg:$0x2];
	[bflag:$0x3] =	sbarrier.arrive $0xFFFF;
	s2 =	simm.s32 @!p0 $0x1C09  }
0x119: {  	[timem:s3], [sflag:s2] =	dma.local @!p0 [hbm:s0], s1  }
0x11a: {  	s0 =	simm.s32 @!p0 $0x9  }
0x11b: {  	_ =	swait.ge @!p0 [sflag:s0], s1  }
0x11c: {  	s1 =	ssub.s32 @!p0 $0x0, s1;
	[sflag:s0] =	ssyncset.done @!p0 $0x0  }
0x11d: {  	[sflag:s0] =	ssyncadd.s32 @!p0 s1  }
0x11e: {  	[bflag:$0x3] =	sbarrier.arrive $0xFFFF  }
0x11f: {  	_ =	shalt  }

</sc_bundles>
